<compile_context>
chip_gen: v7x
topology: tpu7x:2x2x1
jax: 0.10.2.dev20260603
libtpu: 0.0.44.dev20260713+nightly
codegen_flags: <defaults>
</compile_context>

<pallas_src>
import functools

import jax
import jax.numpy as jnp
from jax import lax
from jax.experimental import pallas as pl
from jax.experimental.pallas import tpu as pltpu
from jax.experimental.pallas import tpu_sc as plsc

B, F, OUT = 16384, 26, 64
N = B * F
NC, NS, L = 2, 16, 16
NW = NC * NS
PER_W = N // NW
CHUNK_B = 4
CHUNK = CHUNK_B * F
N_CHUNKS = PER_W // CHUNK


def _prep_body(u0_ref, u1_ref, u2_ref, u3_ref, p1_ref, p2_ref):
    p1_ref[...] = jnp.dot(u0_ref[...], u1_ref[...],
                          preferred_element_type=jnp.float32)
    p2_ref[...] = jnp.dot(u2_ref[...], u3_ref[...],
                          preferred_element_type=jnp.float32)


def _expanded_tables(U0, U1, U2, U3):
    p1, p2 = pl.pallas_call(
        _prep_body,
        out_shape=(
            jax.ShapeDtypeStruct((160, 800), jnp.float32),
            jax.ShapeDtypeStruct((640, 50), jnp.float32),
        ),
    )(U0.reshape(160, 8), U1.reshape(8, 800),
      U2.reshape(640, 8), U3.reshape(8, 50))
    out1 = (p1.reshape(40, 4, 25, 4, 8)
            .transpose(0, 2, 1, 3, 4)
            .reshape(1000, 16, 8))
    out2 = (p2.reshape(8, 40, 2, 25, 2)
            .transpose(0, 1, 3, 2, 4)
            .reshape(8, 1000, 4))
    a1p = jnp.broadcast_to(
        out1.reshape(500, 2, 16, 8).transpose(0, 3, 1, 2)[..., None],
        (500, 8, 2, 16, 4)).reshape(500, 8, 128)
    a2x = jnp.broadcast_to(
        out2[:, :, None, :], (8, 1000, 32, 4)).reshape(8, 1000, 128)
    return a1p, a2x


def _ebuild_body(a1p_ref, a2x_ref, e_ref):
    def rnd(f):
        w = jax.lax.bitcast_convert_type(f, jnp.int32)
        return w + 0x7FFF + ((w >> 16) & 1)

    packed = []
    for t in range(4):
        acc = a2x_ref[0] * a1p_ref[t, 0][None, :]
        for k in range(1, 8):
            acc = acc + a2x_ref[k] * a1p_ref[t, k][None, :]
        lo = jax.lax.shift_right_logical(rnd(acc[:, :OUT]), 16)
        hi = rnd(acc[:, OUT:]) & jnp.int32(-65536)
        packed.append(lo | hi)
    e_ref[...] = jnp.concatenate(
        [jnp.concatenate(packed[:2], axis=1),
         jnp.concatenate(packed[2:], axis=1)], axis=0)


def _build_e(a1p, a2x):
    return pl.pallas_call(
        _ebuild_body,
        grid=(125,),
        in_specs=[
            pl.BlockSpec((4, 8, 128), lambda p: (p, 0, 0)),
            pl.BlockSpec((8, 1000, 128), lambda p: (0, 0, 0)),
        ],
        out_specs=pl.BlockSpec((2000, 128), lambda p: (p, 0)),
        out_shape=jax.ShapeDtypeStruct((250000, 128), jnp.int32),
    )(a1p, a2x)


def _sc_gather(x_flat, e2):
    mesh = plsc.VectorSubcoreMesh(
        core_axis_name="c", subcore_axis_name="s",
        num_cores=NC, num_subcores=NS)

    @functools.partial(
        pl.kernel, mesh=mesh,
        out_type=jax.ShapeDtypeStruct((B, 32, 128), jnp.int32),
        scratch_types=[
            pltpu.VMEM((PER_W,), jnp.int32),
            pltpu.VMEM((PER_W,), jnp.int32),
            pltpu.VMEM((CHUNK + 32, 128), jnp.int32),
            pltpu.VMEM((CHUNK + 32, 128), jnp.int32),
            pltpu.SemaphoreType.DMA,
            pltpu.SemaphoreType.DMA,
        ],
    )
    def k(x_hbm, e_hbm, out_hbm, idx_v, w_v, r0_v, r1_v, sem0, sem1):
        wid = lax.axis_index("s") * NC + lax.axis_index("c")
        w_base = wid * PER_W
        b_base = wid * (PER_W // F)
        pltpu.sync_copy(x_hbm.at[pl.ds(w_base, PER_W)], idx_v)

        def vec_body(j, _):
            v = idx_v[pl.ds(j * L, L)]
            r = (v.astype(jnp.float32) * jnp.float32(1e-3)
                 ).astype(jnp.int32)
            c = v - r * 1000
            big = c >= 1000
            r = jnp.where(big, r + 1, r)
            c = jnp.where(big, c - 1000, c)
            neg = c < 0
            r = jnp.where(neg, r - 1, r)
            c = jnp.where(neg, c + 1000, c)
            w_v[pl.ds(j * L, L)] = (r >> 2) * 1000 + c
            return _

        lax.fori_loop(0, PER_W // L, vec_body, None)

        def fire(g, rows_v, sem):
            pltpu.async_copy(e_hbm.at[w_v.at[pl.ds(g * CHUNK, CHUNK)]],
                             rows_v.at[pl.ds(0, CHUNK)], sem)

        def drain(g, rows_v, sem):
            pltpu.make_async_copy(
                e_hbm.at[w_v.at[pl.ds(g * CHUNK, CHUNK)]],
                rows_v.at[pl.ds(0, CHUNK)], sem).wait()
            for k in range(CHUNK_B):
                pltpu.sync_copy(rows_v.at[pl.ds(k * F, 32)],
                                out_hbm.at[b_base + g * CHUNK_B + k])

        fire(0, r0_v, sem0)

        def pair_body(i, _):
            g0 = 2 * i
            fire(g0 + 1, r1_v, sem1)
            drain(g0, r0_v, sem0)

            @pl.when(g0 + 2 < N_CHUNKS)
            def _():
                fire(g0 + 2, r0_v, sem0)

            drain(g0 + 1, r1_v, sem1)
            return _

        lax.fori_loop(0, N_CHUNKS // 2, pair_body, None)

    return k(x_flat, e2)


def _post_body(pad_ref, o_ref):
    o_ref[...] = pad_ref[:, :OUT]


def _post_select(outpad):
    nb = 1024
    return pl.pallas_call(
        _post_body,
        grid=(N // nb,),
        in_specs=[pl.BlockSpec((nb, 128), lambda i: (i, 0))],
        out_specs=pl.BlockSpec((nb, OUT), lambda i: (i, 0)),
        out_shape=jax.ShapeDtypeStruct((N, OUT), jnp.float32),
    )(outpad)


def kernel(x, U0, U1, U2, U3):
    x_flat = x.reshape(N)
    a1p, a2x = _expanded_tables(U0, U1, U2, U3)
    e2 = _build_e(a1p, a2x)
    out3 = _sc_gather(x_flat, e2)
    r = x // 1000
    cw = jnp.where(((r >> 1) & 1)[:, :, None] == 1,
                   out3[:, :F, OUT:], out3[:, :F, :OUT])
    bits = jnp.where((r & 1)[:, :, None] == 1,
                     cw & jnp.int32(-65536),
                     jax.lax.shift_left(cw, 16))
    return jax.lax.bitcast_convert_type(bits, jnp.float32)

# --- scband reference (transcript-rebuilt; emitter-appended) ---
"""Pipeline reference for scband-embedding-ttm-order4-13322988552199 (READ-ONLY COPY).

The authoritative reference and input builder live on the scoring server;
editing this copy changes nothing except your own understanding.
"""

import jax, jax.numpy as jnp
import numpy as np

B, F = 16384, 26
VOCAB = 1000000
OUT = 64


def setup_inputs(seed: int = 0) -> dict:
    key = jax.random.key(seed)
    ks = jax.random.split(key, 5)
    x = jax.random.randint(ks[0], (B, F), 0, VOCAB, dtype=jnp.int32)
    # TTM cores: U_i has shape (r_i, n_i, m_i, r_{i+1}); init randn/sqrt(r_{i+1}) * 1.0**(1/4)
    U0 = jax.random.normal(ks[1], (1, 40, 4, 8), dtype=jnp.float32) / jnp.sqrt(8.0)
    U1 = jax.random.normal(ks[2], (8, 25, 4, 8), dtype=jnp.float32) / jnp.sqrt(8.0)
    U2 = jax.random.normal(ks[3], (8, 40, 2, 8), dtype=jnp.float32) / jnp.sqrt(8.0)
    U3 = jax.random.normal(ks[4], (8, 25, 2, 1), dtype=jnp.float32) / jnp.sqrt(1.0)
    return {"x": x, "U0": U0, "U1": U1, "U2": U2, "U3": U3}


def reference(x, U0, U1, U2, U3):
    # Contract first pair and second pair of TTM cores (quantization_aware=False path)
    # out1: (r0=1, n1, m1, n2, m2, r2) -> moveaxis(3,2) -> reshape (n1*n2, m1*m2, r2)
    out1 = jnp.tensordot(U0, U1, axes=[[-1], [0]])  # (1,40,4,25,4,8)
    out1 = jnp.moveaxis(out1, 3, 2).reshape(40 * 25, 4 * 4, 8)  # (1000,16,8)
    # out2: (r2, n3, m3, n4, m4, r4=1) -> moveaxis(3,2) -> reshape (r2, n3*n4, m3*m4)
    out2 = jnp.tensordot(U2, U3, axes=[[-1], [0]])  # (8,40,2,25,2,1)
    out2 = jnp.moveaxis(out2, 3, 2).reshape(8, 40 * 25, 2 * 2)  # (8,1000,4)
    xf = x.reshape(-1)
    # ind2coord: np.unravel_index over shape (n1*n2, n3*n4) = (1000, 1000)
    r = xf // 1000
    c = xf % 1000
    o1 = out1[r]           # gather rows: (N,16,8)
    o2 = out2[:, c, :]     # gather cols: (8,N,4)
    rows = jnp.einsum('abc,cad->abd', o1, o2).reshape(xf.shape[0], OUT)
    return rows.reshape(B, F, OUT)

if __name__ == "__main__":
    import jax
    _d = setup_inputs()
    print(jax.jit(kernel)(*tuple(_d.values())))

</pallas_src>

<mosaic_0001>
#map = affine_map<(d0, d1) -> (0)>
#map1 = affine_map<(d0, d1) -> (0, 0)>
#map2 = affine_map<(d0, d1) -> (0, 0, 0)>
module attributes {stable_mosaic.version = 14 : i64} {
  func.func @k(%arg0: i32, %arg1: i32, %arg2: memref<425984xi32, #tpu.memory_space<hbm>>, %arg3: memref<250000x128xi32, #tpu.memory_space<hbm>>, %arg4: memref<16384x32x128xi32, #tpu.memory_space<hbm>>, %arg5: memref<13312xi32, #tpu.memory_space<vmem>>, %arg6: memref<13312xi32, #tpu.memory_space<vmem>>, %arg7: memref<136x128xi32, #tpu.memory_space<vmem>>, %arg8: memref<136x128xi32, #tpu.memory_space<vmem>>, %arg9: memref<!tpu.dma_semaphore, #tpu.memory_space<semaphore_mem>>, %arg10: memref<!tpu.dma_semaphore, #tpu.memory_space<semaphore_mem>>) attributes {dimension_semantics = [#tpu.dimension_semantics<core_parallel>, #tpu.dimension_semantics<subcore_parallel>], iteration_bounds = array<i64: 2, 16>, scalar_prefetch = 0 : i64, scratch_operands = 6 : i64, tpu.core_type = #tpu.core_type<sc_vector_subcore>, window_params = [{transform_indices = #map}, {transform_indices = #map1}, {transform_indices = #map2}]} {
    %mul3A = arith.constant 2 : i32
    %mul3A_0 = arith.muli %arg1, %mul3A : i32
    %add3A = arith.addi %mul3A_0, %arg0 : i32
    %mul3A_1 = arith.constant 13312 : i32
    %mul3A_2 = arith.muli %add3A, %mul3A_1 : i32
    %mul3A_3 = arith.constant 512 : i32
    %mul3A_4 = arith.muli %add3A, %mul3A_3 : i32
    "tpu.region"() ({
      %run_scoped3A = tpu.sem_alloc : memref<!tpu.dma_semaphore, #tpu.memory_space<semaphore_mem>>
      %dma_start3A_21 = tpu.memref_slice %arg2[%mul3A_2] : memref<425984xi32, #tpu.memory_space<hbm>> -> memref<13312xi32, #tpu.memory_space<hbm>>
      %dma_start3A_22 = tpu.memref_slice %arg2[%mul3A_2] : memref<425984xi32, #tpu.memory_space<hbm>> -> memref<13312xi32, #tpu.memory_space<hbm>>
      tpu.enqueue_dma source(%dma_start3A_22 : memref<13312xi32, #tpu.memory_space<hbm>>) target(%arg5 : memref<13312xi32, #tpu.memory_space<vmem>>) target_semaphore(%run_scoped3A : memref<!tpu.dma_semaphore, #tpu.memory_space<semaphore_mem>>)
      %dma_wait3A = tpu.memref_slice %arg2[%mul3A_2] : memref<425984xi32, #tpu.memory_space<hbm>> -> memref<13312xi32, #tpu.memory_space<hbm>>
      %dma_wait3A_23 = tpu.memref_slice %arg2[%mul3A_2] : memref<425984xi32, #tpu.memory_space<hbm>> -> memref<13312xi32, #tpu.memory_space<hbm>>
      tpu.wait_dma2 semaphore(%run_scoped3A : memref<!tpu.dma_semaphore, #tpu.memory_space<semaphore_mem>>) src(%dma_wait3A_23 : memref<13312xi32, #tpu.memory_space<hbm>>) dst(%arg5 : memref<13312xi32, #tpu.memory_space<vmem>>)
      tpu.yield
    }) : () -> ()
    %scan3A = arith.constant 0 : i32
    %scan3A_5 = arith.constant 832 : i32
    %scan3A_6 = arith.addi %scan3A, %scan3A_5 : i32
    %scan3A_7 = arith.constant 1 : i32
    scf.for %scan3A_21 = %scan3A to %scan3A_6 step %scan3A_7  : i32 {
      %mul3A_22 = arith.constant 16 : i32
      %mul3A_23 = arith.muli %scan3A_21, %mul3A_22 : i32
      %get3A = arith.index_cast %mul3A_23 : i32 to index
      %get3A_24 = tpu.vector_load %arg5[%get3A] {strides = array<i32>} : memref<13312xi32, #tpu.memory_space<vmem>>, vector<16xi32>,
      %get3A_25 = vector.shape_cast %get3A_24 : vector<16xi32> to vector<16xi32>
      %convert_element_type3A = arith.sitofp %get3A_25 : vector<16xi32> to vector<16xf32>
      %mul3A_26 = arith.constant 1.000000e-03 : f32
      %mul3A_27 = vector.broadcast %mul3A_26 : f32 to vector<16xf32>
      %mul3A_28 = arith.mulf %convert_element_type3A, %mul3A_27 : vector<16xf32>
      %convert_element_type3A_29 = arith.fptosi %mul3A_28 : vector<16xf32> to vector<16xi32>
      %mul3A_30 = arith.constant 1000 : i32
      %mul3A_31 = vector.broadcast %mul3A_30 : i32 to vector<16xi32>
      %mul3A_32 = arith.muli %convert_element_type3A_29, %mul3A_31 : vector<16xi32>
      %sub3A = arith.subi %get3A_25, %mul3A_32 : vector<16xi32>
      %ge3A = arith.constant 1000 : i32
      %ge3A_33 = vector.broadcast %ge3A : i32 to vector<16xi32>
      %ge3A_34 = arith.cmpi sge, %sub3A, %ge3A_33 : vector<16xi32>
      %add3A_35 = arith.constant 1 : i32
      %add3A_36 = vector.broadcast %add3A_35 : i32 to vector<16xi32>
      %add3A_37 = arith.addi %convert_element_type3A_29, %add3A_36 : vector<16xi32>
      %select_n3A = arith.select %ge3A_34, %add3A_37, %convert_element_type3A_29 : vector<16xi1>, vector<16xi32>
      %sub3A_38 = arith.constant 1000 : i32
      %sub3A_39 = vector.broadcast %sub3A_38 : i32 to vector<16xi32>
      %sub3A_40 = arith.subi %sub3A, %sub3A_39 : vector<16xi32>
      %select_n3A_41 = arith.select %ge3A_34, %sub3A_40, %sub3A : vector<16xi1>, vector<16xi32>
      %lt3A = arith.constant 0 : i32
      %lt3A_42 = vector.broadcast %lt3A : i32 to vector<16xi32>
      %lt3A_43 = arith.cmpi slt, %select_n3A_41, %lt3A_42 : vector<16xi32>
      %sub3A_44 = arith.constant 1 : i32
      %sub3A_45 = vector.broadcast %sub3A_44 : i32 to vector<16xi32>
      %sub3A_46 = arith.subi %select_n3A, %sub3A_45 : vector<16xi32>
      %select_n3A_47 = arith.select %lt3A_43, %sub3A_46, %select_n3A : vector<16xi1>, vector<16xi32>
      %add3A_48 = arith.constant 1000 : i32
      %add3A_49 = vector.broadcast %add3A_48 : i32 to vector<16xi32>
      %add3A_50 = arith.addi %select_n3A_41, %add3A_49 : vector<16xi32>
      %select_n3A_51 = arith.select %lt3A_43, %add3A_50, %select_n3A_41 : vector<16xi1>, vector<16xi32>
      %shift_right_arithmetic3A = arith.constant 2 : i32
      %shift_right_arithmetic3A_52 = vector.broadcast %shift_right_arithmetic3A : i32 to vector<16xi32>
      %shift_right_arithmetic3A_53 = arith.shrsi %select_n3A_47, %shift_right_arithmetic3A_52 : vector<16xi32>
      %mul3A_54 = arith.constant 1000 : i32
      %mul3A_55 = vector.broadcast %mul3A_54 : i32 to vector<16xi32>
      %mul3A_56 = arith.muli %shift_right_arithmetic3A_53, %mul3A_55 : vector<16xi32>
      %add3A_57 = arith.addi %mul3A_56, %select_n3A_51 : vector<16xi32>
      %mul3A_58 = arith.constant 16 : i32
      %mul3A_59 = arith.muli %scan3A_21, %mul3A_58 : i32
      %swap3A = arith.index_cast %mul3A_59 : i32 to index
      %swap3A_60 = tpu.vector_load %arg6[%swap3A] {strides = array<i32>} : memref<13312xi32, #tpu.memory_space<vmem>>, vector<16xi32>,
      %swap3A_61 = vector.shape_cast %swap3A_60 : vector<16xi32> to vector<16xi32>
      %swap3A_62 = vector.shape_cast %add3A_57 : vector<16xi32> to vector<16xi32>
      tpu.vector_store %arg6[%swap3A], %swap3A_62 {strides = array<i32>} : memref<13312xi32, #tpu.memory_space<vmem>>, vector<16xi32>,
    }
    %scan3A_8 = arith.constant 832 : i32
    %dma_start3A = arith.constant 0 : i32
    %dma_start3A_9 = arith.constant 0 : i32
    %dma_start3A_10 = tpu.memref_slice %arg7[%dma_start3A, %dma_start3A_9] : memref<136x128xi32, #tpu.memory_space<vmem>> -> memref<104x128xi32, #tpu.memory_space<vmem>>
    %dma_start3A_11 = arith.constant 0 : i32
    %dma_start3A_12 = tpu.memref_slice %arg6[%dma_start3A_11] : memref<13312xi32, #tpu.memory_space<vmem>> -> memref<104xi32, #tpu.memory_space<vmem>>
    %dma_start3A_13 = arith.constant 0 : i32
    %dma_start3A_14 = arith.constant 0 : i32
    %dma_start3A_15 = tpu.memref_slice %arg3[%dma_start3A_13, %dma_start3A_14] : memref<250000x128xi32, #tpu.memory_space<hbm>> -> memref<250000x128xi32, #tpu.memory_space<hbm>>
    tpu.enqueue_indirect_dma source(%dma_start3A_15 : memref<250000x128xi32, #tpu.memory_space<hbm>>) target(%dma_start3A_10 : memref<104x128xi32, #tpu.memory_space<vmem>>) offsets(%dma_start3A_12 : memref<104xi32, #tpu.memory_space<vmem>>) semaphore(%arg9 : memref<!tpu.dma_semaphore, #tpu.memory_space<semaphore_mem>>)
    %scan3A_16 = arith.constant 0 : i32
    %scan3A_17 = arith.constant 64 : i32
    %scan3A_18 = arith.addi %scan3A_16, %scan3A_17 : i32
    %scan3A_19 = arith.constant 1 : i32
    scf.for %scan3A_21 = %scan3A_16 to %scan3A_18 step %scan3A_19  : i32 {
      %mul3A_22 = arith.constant 2 : i32
      %mul3A_23 = arith.muli %mul3A_22, %scan3A_21 : i32
      %add3A_24 = arith.constant 1 : i32
      %add3A_25 = arith.addi %mul3A_23, %add3A_24 : i32
      %mul3A_26 = arith.constant 104 : i32
      %mul3A_27 = arith.muli %add3A_25, %mul3A_26 : i32
      %dma_start3A_28 = arith.constant 0 : i32
      %dma_start3A_29 = arith.constant 0 : i32
      %dma_start3A_30 = tpu.memref_slice %arg8[%dma_start3A_28, %dma_start3A_29] : memref<136x128xi32, #tpu.memory_space<vmem>> -> memref<104x128xi32, #tpu.memory_space<vmem>>
      %dma_start3A_31 = tpu.memref_slice %arg6[%mul3A_27] : memref<13312xi32, #tpu.memory_space<vmem>> -> memref<104xi32, #tpu.memory_space<vmem>>
      %dma_start3A_32 = arith.constant 0 : i32
      %dma_start3A_33 = arith.constant 0 : i32
      %dma_start3A_34 = tpu.memref_slice %arg3[%dma_start3A_32, %dma_start3A_33] : memref<250000x128xi32, #tpu.memory_space<hbm>> -> memref<250000x128xi32, #tpu.memory_space<hbm>>
      tpu.enqueue_indirect_dma source(%dma_start3A_34 : memref<250000x128xi32, #tpu.memory_space<hbm>>) target(%dma_start3A_30 : memref<104x128xi32, #tpu.memory_space<vmem>>) offsets(%dma_start3A_31 : memref<104xi32, #tpu.memory_space<vmem>>) semaphore(%arg10 : memref<!tpu.dma_semaphore, #tpu.memory_space<semaphore_mem>>)
      %mul3A_35 = arith.constant 104 : i32
      %mul3A_36 = arith.muli %mul3A_23, %mul3A_35 : i32
      %dma_wait3A = arith.constant 0 : i32
      %dma_wait3A_37 = arith.constant 0 : i32
      %dma_wait3A_38 = tpu.memref_slice %arg7[%dma_wait3A, %dma_wait3A_37] : memref<136x128xi32, #tpu.memory_space<vmem>> -> memref<104x128xi32, #tpu.memory_space<vmem>>
      %dma_wait3A_39 = tpu.memref_slice %arg6[%mul3A_36] : memref<13312xi32, #tpu.memory_space<vmem>> -> memref<104xi32, #tpu.memory_space<vmem>>
      %dma_wait3A_40 = arith.constant 0 : i32
      %dma_wait3A_41 = arith.constant 0 : i32
      %dma_wait3A_42 = tpu.memref_slice %arg3[%dma_wait3A_40, %dma_wait3A_41] : memref<250000x128xi32, #tpu.memory_space<hbm>> -> memref<250000x128xi32, #tpu.memory_space<hbm>>
      tpu.wait_indirect_dma semaphore(%arg9 : memref<!tpu.dma_semaphore, #tpu.memory_space<semaphore_mem>>) src(%dma_wait3A_42 : memref<250000x128xi32, #tpu.memory_space<hbm>>) dst(%dma_wait3A_38 : memref<104x128xi32, #tpu.memory_space<vmem>>)
      %mul3A_43 = arith.constant 4 : i32
      %mul3A_44 = arith.muli %mul3A_23, %mul3A_43 : i32
      %add3A_45 = arith.addi %mul3A_4, %mul3A_44 : i32
      %add3A_46 = arith.constant 0 : i32
      %add3A_47 = arith.addi %add3A_45, %add3A_46 : i32
      "tpu.region"() ({
        %run_scoped3A = tpu.sem_alloc : memref<!tpu.dma_semaphore, #tpu.memory_space<semaphore_mem>>
        %dma_start3A_98 = arith.constant 0 : i32
        %dma_start3A_99 = arith.constant 0 : i32
        %dma_start3A_100 = tpu.memref_slice %arg7[%dma_start3A_98, %dma_start3A_99] : memref<136x128xi32, #tpu.memory_space<vmem>> -> memref<32x128xi32, #tpu.memory_space<vmem>>
        %dma_start3A_101 = arith.constant 0 : i32
        %dma_start3A_102 = arith.constant 0 : i32
        %dma_start3A_103 = tpu.memref_slice %arg4[%add3A_47, %dma_start3A_101, %dma_start3A_102] : memref<16384x32x128xi32, #tpu.memory_space<hbm>> -> memref<1x32x128xi32, #tpu.memory_space<hbm>>
        %dma_start3A_104 = tpu.memref_squeeze %dma_start3A_103 : memref<1x32x128xi32, #tpu.memory_space<hbm>> -> memref<32x128xi32, #tpu.memory_space<hbm>>
        %dma_start3A_105 = arith.constant 0 : i32
        %dma_start3A_106 = arith.constant 0 : i32
        %dma_start3A_107 = tpu.memref_slice %arg4[%add3A_47, %dma_start3A_105, %dma_start3A_106] : memref<16384x32x128xi32, #tpu.memory_space<hbm>> -> memref<1x32x128xi32, #tpu.memory_space<hbm>>
        %dma_start3A_108 = tpu.memref_squeeze %dma_start3A_107 : memref<1x32x128xi32, #tpu.memory_space<hbm>> -> memref<32x128xi32, #tpu.memory_space<hbm>>
        %dma_start3A_109 = arith.constant 0 : i32
        %dma_start3A_110 = arith.constant 0 : i32
        %dma_start3A_111 = tpu.memref_slice %arg7[%dma_start3A_109, %dma_start3A_110] : memref<136x128xi32, #tpu.memory_space<vmem>> -> memref<32x128xi32, #tpu.memory_space<vmem>>
        tpu.enqueue_dma source(%dma_start3A_111 : memref<32x128xi32, #tpu.memory_space<vmem>>) target(%dma_start3A_108 : memref<32x128xi32, #tpu.memory_space<hbm>>) target_semaphore(%run_scoped3A : memref<!tpu.dma_semaphore, #tpu.memory_space<semaphore_mem>>)
        %dma_wait3A_112 = arith.constant 0 : i32
        %dma_wait3A_113 = arith.constant 0 : i32
        %dma_wait3A_114 = tpu.memref_slice %arg7[%dma_wait3A_112, %dma_wait3A_113] : memref<136x128xi32, #tpu.memory_space<vmem>> -> memref<32x128xi32, #tpu.memory_space<vmem>>
        %dma_wait3A_115 = arith.constant 0 : i32
        %dma_wait3A_116 = arith.constant 0 : i32
        %dma_wait3A_117 = tpu.memref_slice %arg4[%add3A_47, %dma_wait3A_115, %dma_wait3A_116] : memref<16384x32x128xi32, #tpu.memory_space<hbm>> -> memref<1x32x128xi32, #tpu.memory_space<hbm>>
        %dma_wait3A_118 = tpu.memref_squeeze %dma_wait3A_117 : memref<1x32x128xi32, #tpu.memory_space<hbm>> -> memref<32x128xi32, #tpu.memory_space<hbm>>
        %dma_wait3A_119 = arith.constant 0 : i32
        %dma_wait3A_120 = arith.constant 0 : i32
        %dma_wait3A_121 = tpu.memref_slice %arg4[%add3A_47, %dma_wait3A_119, %dma_wait3A_120] : memref<16384x32x128xi32, #tpu.memory_space<hbm>> -> memref<1x32x128xi32, #tpu.memory_space<hbm>>
        %dma_wait3A_122 = tpu.memref_squeeze %dma_wait3A_121 : memref<1x32x128xi32, #tpu.memory_space<hbm>> -> memref<32x128xi32, #tpu.memory_space<hbm>>
        %dma_wait3A_123 = arith.constant 0 : i32
        %dma_wait3A_124 = arith.constant 0 : i32
        %dma_wait3A_125 = tpu.memref_slice %arg7[%dma_wait3A_123, %dma_wait3A_124] : memref<136x128xi32, #tpu.memory_space<vmem>> -> memref<32x128xi32, #tpu.memory_space<vmem>>
        tpu.wait_dma2 semaphore(%run_scoped3A : memref<!tpu.dma_semaphore, #tpu.memory_space<semaphore_mem>>) src(%dma_wait3A_125 : memref<32x128xi32, #tpu.memory_space<vmem>>) dst(%dma_wait3A_122 : memref<32x128xi32, #tpu.memory_space<hbm>>)
        tpu.yield
      }) : () -> ()
      %mul3A_48 = arith.constant 4 : i32
      %mul3A_49 = arith.muli %mul3A_23, %mul3A_48 : i32
      %add3A_50 = arith.addi %mul3A_4, %mul3A_49 : i32
      %add3A_51 = arith.constant 1 : i32
      %add3A_52 = arith.addi %add3A_50, %add3A_51 : i32
      "tpu.region"() ({
        %run_scoped3A = tpu.sem_alloc : memref<!tpu.dma_semaphore, #tpu.memory_space<semaphore_mem>>
        %dma_start3A_98 = arith.constant 26 : i32
        %dma_start3A_99 = arith.constant 0 : i32
        %dma_start3A_100 = tpu.memref_slice %arg7[%dma_start3A_98, %dma_start3A_99] : memref<136x128xi32, #tpu.memory_space<vmem>> -> memref<32x128xi32, #tpu.memory_space<vmem>>
        %dma_start3A_101 = arith.constant 0 : i32
        %dma_start3A_102 = arith.constant 0 : i32
        %dma_start3A_103 = tpu.memref_slice %arg4[%add3A_52, %dma_start3A_101, %dma_start3A_102] : memref<16384x32x128xi32, #tpu.memory_space<hbm>> -> memref<1x32x128xi32, #tpu.memory_space<hbm>>
        %dma_start3A_104 = tpu.memref_squeeze %dma_start3A_103 : memref<1x32x128xi32, #tpu.memory_space<hbm>> -> memref<32x128xi32, #tpu.memory_space<hbm>>
        %dma_start3A_105 = arith.constant 0 : i32
        %dma_start3A_106 = arith.constant 0 : i32
        %dma_start3A_107 = tpu.memref_slice %arg4[%add3A_52, %dma_start3A_105, %dma_start3A_106] : memref<16384x32x128xi32, #tpu.memory_space<hbm>> -> memref<1x32x128xi32, #tpu.memory_space<hbm>>
        %dma_start3A_108 = tpu.memref_squeeze %dma_start3A_107 : memref<1x32x128xi32, #tpu.memory_space<hbm>> -> memref<32x128xi32, #tpu.memory_space<hbm>>
        %dma_start3A_109 = arith.constant 26 : i32
        %dma_start3A_110 = arith.constant 0 : i32
        %dma_start3A_111 = tpu.memref_slice %arg7[%dma_start3A_109, %dma_start3A_110] : memref<136x128xi32, #tpu.memory_space<vmem>> -> memref<32x128xi32, #tpu.memory_space<vmem>>
        tpu.enqueue_dma source(%dma_start3A_111 : memref<32x128xi32, #tpu.memory_space<vmem>>) target(%dma_start3A_108 : memref<32x128xi32, #tpu.memory_space<hbm>>) target_semaphore(%run_scoped3A : memref<!tpu.dma_semaphore, #tpu.memory_space<semaphore_mem>>)
        %dma_wait3A_112 = arith.constant 26 : i32
        %dma_wait3A_113 = arith.constant 0 : i32
        %dma_wait3A_114 = tpu.memref_slice %arg7[%dma_wait3A_112, %dma_wait3A_113] : memref<136x128xi32, #tpu.memory_space<vmem>> -> memref<32x128xi32, #tpu.memory_space<vmem>>
        %dma_wait3A_115 = arith.constant 0 : i32
        %dma_wait3A_116 = arith.constant 0 : i32
        %dma_wait3A_117 = tpu.memref_slice %arg4[%add3A_52, %dma_wait3A_115, %dma_wait3A_116] : memref<16384x32x128xi32, #tpu.memory_space<hbm>> -> memref<1x32x128xi32, #tpu.memory_space<hbm>>
        %dma_wait3A_118 = tpu.memref_squeeze %dma_wait3A_117 : memref<1x32x128xi32, #tpu.memory_space<hbm>> -> memref<32x128xi32, #tpu.memory_space<hbm>>
        %dma_wait3A_119 = arith.constant 0 : i32
        %dma_wait3A_120 = arith.constant 0 : i32
        %dma_wait3A_121 = tpu.memref_slice %arg4[%add3A_52, %dma_wait3A_119, %dma_wait3A_120] : memref<16384x32x128xi32, #tpu.memory_space<hbm>> -> memref<1x32x128xi32, #tpu.memory_space<hbm>>
        %dma_wait3A_122 = tpu.memref_squeeze %dma_wait3A_121 : memref<1x32x128xi32, #tpu.memory_space<hbm>> -> memref<32x128xi32, #tpu.memory_space<hbm>>
        %dma_wait3A_123 = arith.constant 26 : i32
        %dma_wait3A_124 = arith.constant 0 : i32
        %dma_wait3A_125 = tpu.memref_slice %arg7[%dma_wait3A_123, %dma_wait3A_124] : memref<136x128xi32, #tpu.memory_space<vmem>> -> memref<32x128xi32, #tpu.memory_space<vmem>>
        tpu.wait_dma2 semaphore(%run_scoped3A : memref<!tpu.dma_semaphore, #tpu.memory_space<semaphore_mem>>) src(%dma_wait3A_125 : memref<32x128xi32, #tpu.memory_space<vmem>>) dst(%dma_wait3A_122 : memref<32x128xi32, #tpu.memory_space<hbm>>)
        tpu.yield
      }) : () -> ()
      %mul3A_53 = arith.constant 4 : i32
      %mul3A_54 = arith.muli %mul3A_23, %mul3A_53 : i32
      %add3A_55 = arith.addi %mul3A_4, %mul3A_54 : i32
      %add3A_56 = arith.constant 2 : i32
      %add3A_57 = arith.addi %add3A_55, %add3A_56 : i32
      "tpu.region"() ({
        %run_scoped3A = tpu.sem_alloc : memref<!tpu.dma_semaphore, #tpu.memory_space<semaphore_mem>>
        %dma_start3A_98 = arith.constant 52 : i32
        %dma_start3A_99 = arith.constant 0 : i32
        %dma_start3A_100 = tpu.memref_slice %arg7[%dma_start3A_98, %dma_start3A_99] : memref<136x128xi32, #tpu.memory_space<vmem>> -> memref<32x128xi32, #tpu.memory_space<vmem>>
        %dma_start3A_101 = arith.constant 0 : i32
        %dma_start3A_102 = arith.constant 0 : i32
        %dma_start3A_103 = tpu.memref_slice %arg4[%add3A_57, %dma_start3A_101, %dma_start3A_102] : memref<16384x32x128xi32, #tpu.memory_space<hbm>> -> memref<1x32x128xi32, #tpu.memory_space<hbm>>
        %dma_start3A_104 = tpu.memref_squeeze %dma_start3A_103 : memref<1x32x128xi32, #tpu.memory_space<hbm>> -> memref<32x128xi32, #tpu.memory_space<hbm>>
        %dma_start3A_105 = arith.constant 0 : i32
        %dma_start3A_106 = arith.constant 0 : i32
        %dma_start3A_107 = tpu.memref_slice %arg4[%add3A_57, %dma_start3A_105, %dma_start3A_106] : memref<16384x32x128xi32, #tpu.memory_space<hbm>> -> memref<1x32x128xi32, #tpu.memory_space<hbm>>
        %dma_start3A_108 = tpu.memref_squeeze %dma_start3A_107 : memref<1x32x128xi32, #tpu.memory_space<hbm>> -> memref<32x128xi32, #tpu.memory_space<hbm>>
        %dma_start3A_109 = arith.constant 52 : i32
        %dma_start3A_110 = arith.constant 0 : i32
        %dma_start3A_111 = tpu.memref_slice %arg7[%dma_start3A_109, %dma_start3A_110] : memref<136x128xi32, #tpu.memory_space<vmem>> -> memref<32x128xi32, #tpu.memory_space<vmem>>
        tpu.enqueue_dma source(%dma_start3A_111 : memref<32x128xi32, #tpu.memory_space<vmem>>) target(%dma_start3A_108 : memref<32x128xi32, #tpu.memory_space<hbm>>) target_semaphore(%run_scoped3A : memref<!tpu.dma_semaphore, #tpu.memory_space<semaphore_mem>>)
        %dma_wait3A_112 = arith.constant 52 : i32
        %dma_wait3A_113 = arith.constant 0 : i32
        %dma_wait3A_114 = tpu.memref_slice %arg7[%dma_wait3A_112, %dma_wait3A_113] : memref<136x128xi32, #tpu.memory_space<vmem>> -> memref<32x128xi32, #tpu.memory_space<vmem>>
        %dma_wait3A_115 = arith.constant 0 : i32
        %dma_wait3A_116 = arith.constant 0 : i32
        %dma_wait3A_117 = tpu.memref_slice %arg4[%add3A_57, %dma_wait3A_115, %dma_wait3A_116] : memref<16384x32x128xi32, #tpu.memory_space<hbm>> -> memref<1x32x128xi32, #tpu.memory_space<hbm>>
        %dma_wait3A_118 = tpu.memref_squeeze %dma_wait3A_117 : memref<1x32x128xi32, #tpu.memory_space<hbm>> -> memref<32x128xi32, #tpu.memory_space<hbm>>
        %dma_wait3A_119 = arith.constant 0 : i32
        %dma_wait3A_120 = arith.constant 0 : i32
        %dma_wait3A_121 = tpu.memref_slice %arg4[%add3A_57, %dma_wait3A_119, %dma_wait3A_120] : memref<16384x32x128xi32, #tpu.memory_space<hbm>> -> memref<1x32x128xi32, #tpu.memory_space<hbm>>
        %dma_wait3A_122 = tpu.memref_squeeze %dma_wait3A_121 : memref<1x32x128xi32, #tpu.memory_space<hbm>> -> memref<32x128xi32, #tpu.memory_space<hbm>>
        %dma_wait3A_123 = arith.constant 52 : i32
        %dma_wait3A_124 = arith.constant 0 : i32
        %dma_wait3A_125 = tpu.memref_slice %arg7[%dma_wait3A_123, %dma_wait3A_124] : memref<136x128xi32, #tpu.memory_space<vmem>> -> memref<32x128xi32, #tpu.memory_space<vmem>>
        tpu.wait_dma2 semaphore(%run_scoped3A : memref<!tpu.dma_semaphore, #tpu.memory_space<semaphore_mem>>) src(%dma_wait3A_125 : memref<32x128xi32, #tpu.memory_space<vmem>>) dst(%dma_wait3A_122 : memref<32x128xi32, #tpu.memory_space<hbm>>)
        tpu.yield
      }) : () -> ()
      %mul3A_58 = arith.constant 4 : i32
      %mul3A_59 = arith.muli %mul3A_23, %mul3A_58 : i32
      %add3A_60 = arith.addi %mul3A_4, %mul3A_59 : i32
      %add3A_61 = arith.constant 3 : i32
      %add3A_62 = arith.addi %add3A_60, %add3A_61 : i32
      "tpu.region"() ({
        %run_scoped3A = tpu.sem_alloc : memref<!tpu.dma_semaphore, #tpu.memory_space<semaphore_mem>>
        %dma_start3A_98 = arith.constant 78 : i32
        %dma_start3A_99 = arith.constant 0 : i32
        %dma_start3A_100 = tpu.memref_slice %arg7[%dma_start3A_98, %dma_start3A_99] : memref<136x128xi32, #tpu.memory_space<vmem>> -> memref<32x128xi32, #tpu.memory_space<vmem>>
        %dma_start3A_101 = arith.constant 0 : i32
        %dma_start3A_102 = arith.constant 0 : i32
        %dma_start3A_103 = tpu.memref_slice %arg4[%add3A_62, %dma_start3A_101, %dma_start3A_102] : memref<16384x32x128xi32, #tpu.memory_space<hbm>> -> memref<1x32x128xi32, #tpu.memory_space<hbm>>
        %dma_start3A_104 = tpu.memref_squeeze %dma_start3A_103 : memref<1x32x128xi32, #tpu.memory_space<hbm>> -> memref<32x128xi32, #tpu.memory_space<hbm>>
        %dma_start3A_105 = arith.constant 0 : i32
        %dma_start3A_106 = arith.constant 0 : i32
        %dma_start3A_107 = tpu.memref_slice %arg4[%add3A_62, %dma_start3A_105, %dma_start3A_106] : memref<16384x32x128xi32, #tpu.memory_space<hbm>> -> memref<1x32x128xi32, #tpu.memory_space<hbm>>
        %dma_start3A_108 = tpu.memref_squeeze %dma_start3A_107 : memref<1x32x128xi32, #tpu.memory_space<hbm>> -> memref<32x128xi32, #tpu.memory_space<hbm>>
        %dma_start3A_109 = arith.constant 78 : i32
        %dma_start3A_110 = arith.constant 0 : i32
        %dma_start3A_111 = tpu.memref_slice %arg7[%dma_start3A_109, %dma_start3A_110] : memref<136x128xi32, #tpu.memory_space<vmem>> -> memref<32x128xi32, #tpu.memory_space<vmem>>
        tpu.enqueue_dma source(%dma_start3A_111 : memref<32x128xi32, #tpu.memory_space<vmem>>) target(%dma_start3A_108 : memref<32x128xi32, #tpu.memory_space<hbm>>) target_semaphore(%run_scoped3A : memref<!tpu.dma_semaphore, #tpu.memory_space<semaphore_mem>>)
        %dma_wait3A_112 = arith.constant 78 : i32
        %dma_wait3A_113 = arith.constant 0 : i32
        %dma_wait3A_114 = tpu.memref_slice %arg7[%dma_wait3A_112, %dma_wait3A_113] : memref<136x128xi32, #tpu.memory_space<vmem>> -> memref<32x128xi32, #tpu.memory_space<vmem>>
        %dma_wait3A_115 = arith.constant 0 : i32
        %dma_wait3A_116 = arith.constant 0 : i32
        %dma_wait3A_117 = tpu.memref_slice %arg4[%add3A_62, %dma_wait3A_115, %dma_wait3A_116] : memref<16384x32x128xi32, #tpu.memory_space<hbm>> -> memref<1x32x128xi32, #tpu.memory_space<hbm>>
        %dma_wait3A_118 = tpu.memref_squeeze %dma_wait3A_117 : memref<1x32x128xi32, #tpu.memory_space<hbm>> -> memref<32x128xi32, #tpu.memory_space<hbm>>
        %dma_wait3A_119 = arith.constant 0 : i32
        %dma_wait3A_120 = arith.constant 0 : i32
        %dma_wait3A_121 = tpu.memref_slice %arg4[%add3A_62, %dma_wait3A_119, %dma_wait3A_120] : memref<16384x32x128xi32, #tpu.memory_space<hbm>> -> memref<1x32x128xi32, #tpu.memory_space<hbm>>
        %dma_wait3A_122 = tpu.memref_squeeze %dma_wait3A_121 : memref<1x32x128xi32, #tpu.memory_space<hbm>> -> memref<32x128xi32, #tpu.memory_space<hbm>>
        %dma_wait3A_123 = arith.constant 78 : i32
        %dma_wait3A_124 = arith.constant 0 : i32
        %dma_wait3A_125 = tpu.memref_slice %arg7[%dma_wait3A_123, %dma_wait3A_124] : memref<136x128xi32, #tpu.memory_space<vmem>> -> memref<32x128xi32, #tpu.memory_space<vmem>>
        tpu.wait_dma2 semaphore(%run_scoped3A : memref<!tpu.dma_semaphore, #tpu.memory_space<semaphore_mem>>) src(%dma_wait3A_125 : memref<32x128xi32, #tpu.memory_space<vmem>>) dst(%dma_wait3A_122 : memref<32x128xi32, #tpu.memory_space<hbm>>)
        tpu.yield
      }) : () -> ()
      %add3A_63 = arith.constant 2 : i32
      %add3A_64 = arith.addi %mul3A_23, %add3A_63 : i32
      %lt3A = arith.constant 128 : i32
      %lt3A_65 = arith.cmpi slt, %add3A_64, %lt3A : i32
      %convert_element_type3A = arith.extui %lt3A_65 : i1 to i32
      %cond3A = arith.constant 0 : i32
      %cond3A_66 = arith.cmpi ne, %convert_element_type3A, %cond3A : i32
      scf.if %cond3A_66 {
        %add3A_98 = arith.constant 2 : i32
        %add3A_99 = arith.addi %mul3A_23, %add3A_98 : i32
        %mul3A_100 = arith.constant 104 : i32
        %mul3A_101 = arith.muli %add3A_99, %mul3A_100 : i32
        %dma_start3A_102 = arith.constant 0 : i32
        %dma_start3A_103 = arith.constant 0 : i32
        %dma_start3A_104 = tpu.memref_slice %arg7[%dma_start3A_102, %dma_start3A_103] : memref<136x128xi32, #tpu.memory_space<vmem>> -> memref<104x128xi32, #tpu.memory_space<vmem>>
        %dma_start3A_105 = tpu.memref_slice %arg6[%mul3A_101] : memref<13312xi32, #tpu.memory_space<vmem>> -> memref<104xi32, #tpu.memory_space<vmem>>
        %dma_start3A_106 = arith.constant 0 : i32
        %dma_start3A_107 = arith.constant 0 : i32
        %dma_start3A_108 = tpu.memref_slice %arg3[%dma_start3A_106, %dma_start3A_107] : memref<250000x128xi32, #tpu.memory_space<hbm>> -> memref<250000x128xi32, #tpu.memory_space<hbm>>
        tpu.enqueue_indirect_dma source(%dma_start3A_108 : memref<250000x128xi32, #tpu.memory_space<hbm>>) target(%dma_start3A_104 : memref<104x128xi32, #tpu.memory_space<vmem>>) offsets(%dma_start3A_105 : memref<104xi32, #tpu.memory_space<vmem>>) semaphore(%arg9 : memref<!tpu.dma_semaphore, #tpu.memory_space<semaphore_mem>>)
      } else {
      }
      %add3A_67 = arith.constant 1 : i32
      %add3A_68 = arith.addi %mul3A_23, %add3A_67 : i32
      %mul3A_69 = arith.constant 104 : i32
      %mul3A_70 = arith.muli %add3A_68, %mul3A_69 : i32
      %dma_wait3A_71 = arith.constant 0 : i32
      %dma_wait3A_72 = arith.constant 0 : i32
      %dma_wait3A_73 = tpu.memref_slice %arg8[%dma_wait3A_71, %dma_wait3A_72] : memref<136x128xi32, #tpu.memory_space<vmem>> -> memref<104x128xi32, #tpu.memory_space<vmem>>
      %dma_wait3A_74 = tpu.memref_slice %arg6[%mul3A_70] : memref<13312xi32, #tpu.memory_space<vmem>> -> memref<104xi32, #tpu.memory_space<vmem>>
      %dma_wait3A_75 = arith.constant 0 : i32
      %dma_wait3A_76 = arith.constant 0 : i32
      %dma_wait3A_77 = tpu.memref_slice %arg3[%dma_wait3A_75, %dma_wait3A_76] : memref<250000x128xi32, #tpu.memory_space<hbm>> -> memref<250000x128xi32, #tpu.memory_space<hbm>>
      tpu.wait_indirect_dma semaphore(%arg10 : memref<!tpu.dma_semaphore, #tpu.memory_space<semaphore_mem>>) src(%dma_wait3A_77 : memref<250000x128xi32, #tpu.memory_space<hbm>>) dst(%dma_wait3A_73 : memref<104x128xi32, #tpu.memory_space<vmem>>)
      %mul3A_78 = arith.constant 4 : i32
      %mul3A_79 = arith.muli %add3A_68, %mul3A_78 : i32
      %add3A_80 = arith.addi %mul3A_4, %mul3A_79 : i32
      %add3A_81 = arith.constant 0 : i32
      %add3A_82 = arith.addi %add3A_80, %add3A_81 : i32
      "tpu.region"() ({
        %run_scoped3A = tpu.sem_alloc : memref<!tpu.dma_semaphore, #tpu.memory_space<semaphore_mem>>
        %dma_start3A_98 = arith.constant 0 : i32
        %dma_start3A_99 = arith.constant 0 : i32
        %dma_start3A_100 = tpu.memref_slice %arg8[%dma_start3A_98, %dma_start3A_99] : memref<136x128xi32, #tpu.memory_space<vmem>> -> memref<32x128xi32, #tpu.memory_space<vmem>>
        %dma_start3A_101 = arith.constant 0 : i32
        %dma_start3A_102 = arith.constant 0 : i32
        %dma_start3A_103 = tpu.memref_slice %arg4[%add3A_82, %dma_start3A_101, %dma_start3A_102] : memref<16384x32x128xi32, #tpu.memory_space<hbm>> -> memref<1x32x128xi32, #tpu.memory_space<hbm>>
        %dma_start3A_104 = tpu.memref_squeeze %dma_start3A_103 : memref<1x32x128xi32, #tpu.memory_space<hbm>> -> memref<32x128xi32, #tpu.memory_space<hbm>>
        %dma_start3A_105 = arith.constant 0 : i32
        %dma_start3A_106 = arith.constant 0 : i32
        %dma_start3A_107 = tpu.memref_slice %arg4[%add3A_82, %dma_start3A_105, %dma_start3A_106] : memref<16384x32x128xi32, #tpu.memory_space<hbm>> -> memref<1x32x128xi32, #tpu.memory_space<hbm>>
        %dma_start3A_108 = tpu.memref_squeeze %dma_start3A_107 : memref<1x32x128xi32, #tpu.memory_space<hbm>> -> memref<32x128xi32, #tpu.memory_space<hbm>>
        %dma_start3A_109 = arith.constant 0 : i32
        %dma_start3A_110 = arith.constant 0 : i32
        %dma_start3A_111 = tpu.memref_slice %arg8[%dma_start3A_109, %dma_start3A_110] : memref<136x128xi32, #tpu.memory_space<vmem>> -> memref<32x128xi32, #tpu.memory_space<vmem>>
        tpu.enqueue_dma source(%dma_start3A_111 : memref<32x128xi32, #tpu.memory_space<vmem>>) target(%dma_start3A_108 : memref<32x128xi32, #tpu.memory_space<hbm>>) target_semaphore(%run_scoped3A : memref<!tpu.dma_semaphore, #tpu.memory_space<semaphore_mem>>)
        %dma_wait3A_112 = arith.constant 0 : i32
        %dma_wait3A_113 = arith.constant 0 : i32
        %dma_wait3A_114 = tpu.memref_slice %arg8[%dma_wait3A_112, %dma_wait3A_113] : memref<136x128xi32, #tpu.memory_space<vmem>> -> memref<32x128xi32, #tpu.memory_space<vmem>>
        %dma_wait3A_115 = arith.constant 0 : i32
        %dma_wait3A_116 = arith.constant 0 : i32
        %dma_wait3A_117 = tpu.memref_slice %arg4[%add3A_82, %dma_wait3A_115, %dma_wait3A_116] : memref<16384x32x128xi32, #tpu.memory_space<hbm>> -> memref<1x32x128xi32, #tpu.memory_space<hbm>>
        %dma_wait3A_118 = tpu.memref_squeeze %dma_wait3A_117 : memref<1x32x128xi32, #tpu.memory_space<hbm>> -> memref<32x128xi32, #tpu.memory_space<hbm>>
        %dma_wait3A_119 = arith.constant 0 : i32
        %dma_wait3A_120 = arith.constant 0 : i32
        %dma_wait3A_121 = tpu.memref_slice %arg4[%add3A_82, %dma_wait3A_119, %dma_wait3A_120] : memref<16384x32x128xi32, #tpu.memory_space<hbm>> -> memref<1x32x128xi32, #tpu.memory_space<hbm>>
        %dma_wait3A_122 = tpu.memref_squeeze %dma_wait3A_121 : memref<1x32x128xi32, #tpu.memory_space<hbm>> -> memref<32x128xi32, #tpu.memory_space<hbm>>
        %dma_wait3A_123 = arith.constant 0 : i32
        %dma_wait3A_124 = arith.constant 0 : i32
        %dma_wait3A_125 = tpu.memref_slice %arg8[%dma_wait3A_123, %dma_wait3A_124] : memref<136x128xi32, #tpu.memory_space<vmem>> -> memref<32x128xi32, #tpu.memory_space<vmem>>
        tpu.wait_dma2 semaphore(%run_scoped3A : memref<!tpu.dma_semaphore, #tpu.memory_space<semaphore_mem>>) src(%dma_wait3A_125 : memref<32x128xi32, #tpu.memory_space<vmem>>) dst(%dma_wait3A_122 : memref<32x128xi32, #tpu.memory_space<hbm>>)
        tpu.yield
      }) : () -> ()
      %mul3A_83 = arith.constant 4 : i32
      %mul3A_84 = arith.muli %add3A_68, %mul3A_83 : i32
      %add3A_85 = arith.addi %mul3A_4, %mul3A_84 : i32
      %add3A_86 = arith.constant 1 : i32
      %add3A_87 = arith.addi %add3A_85, %add3A_86 : i32
      "tpu.region"() ({
        %run_scoped3A = tpu.sem_alloc : memref<!tpu.dma_semaphore, #tpu.memory_space<semaphore_mem>>
        %dma_start3A_98 = arith.constant 26 : i32
        %dma_start3A_99 = arith.constant 0 : i32
        %dma_start3A_100 = tpu.memref_slice %arg8[%dma_start3A_98, %dma_start3A_99] : memref<136x128xi32, #tpu.memory_space<vmem>> -> memref<32x128xi32, #tpu.memory_space<vmem>>
        %dma_start3A_101 = arith.constant 0 : i32
        %dma_start3A_102 = arith.constant 0 : i32
        %dma_start3A_103 = tpu.memref_slice %arg4[%add3A_87, %dma_start3A_101, %dma_start3A_102] : memref<16384x32x128xi32, #tpu.memory_space<hbm>> -> memref<1x32x128xi32, #tpu.memory_space<hbm>>
        %dma_start3A_104 = tpu.memref_squeeze %dma_start3A_103 : memref<1x32x128xi32, #tpu.memory_space<hbm>> -> memref<32x128xi32, #tpu.memory_space<hbm>>
        %dma_start3A_105 = arith.constant 0 : i32
        %dma_start3A_106 = arith.constant 0 : i32
        %dma_start3A_107 = tpu.memref_slice %arg4[%add3A_87, %dma_start3A_105, %dma_start3A_106] : memref<16384x32x128xi32, #tpu.memory_space<hbm>> -> memref<1x32x128xi32, #tpu.memory_space<hbm>>
        %dma_start3A_108 = tpu.memref_squeeze %dma_start3A_107 : memref<1x32x128xi32, #tpu.memory_space<hbm>> -> memref<32x128xi32, #tpu.memory_space<hbm>>
        %dma_start3A_109 = arith.constant 26 : i32
        %dma_start3A_110 = arith.constant 0 : i32
        %dma_start3A_111 = tpu.memref_slice %arg8[%dma_start3A_109, %dma_start3A_110] : memref<136x128xi32, #tpu.memory_space<vmem>> -> memref<32x128xi32, #tpu.memory_space<vmem>>
        tpu.enqueue_dma source(%dma_start3A_111 : memref<32x128xi32, #tpu.memory_space<vmem>>) target(%dma_start3A_108 : memref<32x128xi32, #tpu.memory_space<hbm>>) target_semaphore(%run_scoped3A : memref<!tpu.dma_semaphore, #tpu.memory_space<semaphore_mem>>)
        %dma_wait3A_112 = arith.constant 26 : i32
        %dma_wait3A_113 = arith.constant 0 : i32
        %dma_wait3A_114 = tpu.memref_slice %arg8[%dma_wait3A_112, %dma_wait3A_113] : memref<136x128xi32, #tpu.memory_space<vmem>> -> memref<32x128xi32, #tpu.memory_space<vmem>>
        %dma_wait3A_115 = arith.constant 0 : i32
        %dma_wait3A_116 = arith.constant 0 : i32
        %dma_wait3A_117 = tpu.memref_slice %arg4[%add3A_87, %dma_wait3A_115, %dma_wait3A_116] : memref<16384x32x128xi32, #tpu.memory_space<hbm>> -> memref<1x32x128xi32, #tpu.memory_space<hbm>>
        %dma_wait3A_118 = tpu.memref_squeeze %dma_wait3A_117 : memref<1x32x128xi32, #tpu.memory_space<hbm>> -> memref<32x128xi32, #tpu.memory_space<hbm>>
        %dma_wait3A_119 = arith.constant 0 : i32
        %dma_wait3A_120 = arith.constant 0 : i32
        %dma_wait3A_121 = tpu.memref_slice %arg4[%add3A_87, %dma_wait3A_119, %dma_wait3A_120] : memref<16384x32x128xi32, #tpu.memory_space<hbm>> -> memref<1x32x128xi32, #tpu.memory_space<hbm>>
        %dma_wait3A_122 = tpu.memref_squeeze %dma_wait3A_121 : memref<1x32x128xi32, #tpu.memory_space<hbm>> -> memref<32x128xi32, #tpu.memory_space<hbm>>
        %dma_wait3A_123 = arith.constant 26 : i32
        %dma_wait3A_124 = arith.constant 0 : i32
        %dma_wait3A_125 = tpu.memref_slice %arg8[%dma_wait3A_123, %dma_wait3A_124] : memref<136x128xi32, #tpu.memory_space<vmem>> -> memref<32x128xi32, #tpu.memory_space<vmem>>
        tpu.wait_dma2 semaphore(%run_scoped3A : memref<!tpu.dma_semaphore, #tpu.memory_space<semaphore_mem>>) src(%dma_wait3A_125 : memref<32x128xi32, #tpu.memory_space<vmem>>) dst(%dma_wait3A_122 : memref<32x128xi32, #tpu.memory_space<hbm>>)
        tpu.yield
      }) : () -> ()
      %mul3A_88 = arith.constant 4 : i32
      %mul3A_89 = arith.muli %add3A_68, %mul3A_88 : i32
      %add3A_90 = arith.addi %mul3A_4, %mul3A_89 : i32
      %add3A_91 = arith.constant 2 : i32
      %add3A_92 = arith.addi %add3A_90, %add3A_91 : i32
      "tpu.region"() ({
        %run_scoped3A = tpu.sem_alloc : memref<!tpu.dma_semaphore, #tpu.memory_space<semaphore_mem>>
        %dma_start3A_98 = arith.constant 52 : i32
        %dma_start3A_99 = arith.constant 0 : i32
        %dma_start3A_100 = tpu.memref_slice %arg8[%dma_start3A_98, %dma_start3A_99] : memref<136x128xi32, #tpu.memory_space<vmem>> -> memref<32x128xi32, #tpu.memory_space<vmem>>
        %dma_start3A_101 = arith.constant 0 : i32
        %dma_start3A_102 = arith.constant 0 : i32
        %dma_start3A_103 = tpu.memref_slice %arg4[%add3A_92, %dma_start3A_101, %dma_start3A_102] : memref<16384x32x128xi32, #tpu.memory_space<hbm>> -> memref<1x32x128xi32, #tpu.memory_space<hbm>>
        %dma_start3A_104 = tpu.memref_squeeze %dma_start3A_103 : memref<1x32x128xi32, #tpu.memory_space<hbm>> -> memref<32x128xi32, #tpu.memory_space<hbm>>
        %dma_start3A_105 = arith.constant 0 : i32
        %dma_start3A_106 = arith.constant 0 : i32
        %dma_start3A_107 = tpu.memref_slice %arg4[%add3A_92, %dma_start3A_105, %dma_start3A_106] : memref<16384x32x128xi32, #tpu.memory_space<hbm>> -> memref<1x32x128xi32, #tpu.memory_space<hbm>>
        %dma_start3A_108 = tpu.memref_squeeze %dma_start3A_107 : memref<1x32x128xi32, #tpu.memory_space<hbm>> -> memref<32x128xi32, #tpu.memory_space<hbm>>
        %dma_start3A_109 = arith.constant 52 : i32
        %dma_start3A_110 = arith.constant 0 : i32
        %dma_start3A_111 = tpu.memref_slice %arg8[%dma_start3A_109, %dma_start3A_110] : memref<136x128xi32, #tpu.memory_space<vmem>> -> memref<32x128xi32, #tpu.memory_space<vmem>>
        tpu.enqueue_dma source(%dma_start3A_111 : memref<32x128xi32, #tpu.memory_space<vmem>>) target(%dma_start3A_108 : memref<32x128xi32, #tpu.memory_space<hbm>>) target_semaphore(%run_scoped3A : memref<!tpu.dma_semaphore, #tpu.memory_space<semaphore_mem>>)
        %dma_wait3A_112 = arith.constant 52 : i32
        %dma_wait3A_113 = arith.constant 0 : i32
        %dma_wait3A_114 = tpu.memref_slice %arg8[%dma_wait3A_112, %dma_wait3A_113] : memref<136x128xi32, #tpu.memory_space<vmem>> -> memref<32x128xi32, #tpu.memory_space<vmem>>
        %dma_wait3A_115 = arith.constant 0 : i32
        %dma_wait3A_116 = arith.constant 0 : i32
        %dma_wait3A_117 = tpu.memref_slice %arg4[%add3A_92, %dma_wait3A_115, %dma_wait3A_116] : memref<16384x32x128xi32, #tpu.memory_space<hbm>> -> memref<1x32x128xi32, #tpu.memory_space<hbm>>
        %dma_wait3A_118 = tpu.memref_squeeze %dma_wait3A_117 : memref<1x32x128xi32, #tpu.memory_space<hbm>> -> memref<32x128xi32, #tpu.memory_space<hbm>>
        %dma_wait3A_119 = arith.constant 0 : i32
        %dma_wait3A_120 = arith.constant 0 : i32
        %dma_wait3A_121 = tpu.memref_slice %arg4[%add3A_92, %dma_wait3A_119, %dma_wait3A_120] : memref<16384x32x128xi32, #tpu.memory_space<hbm>> -> memref<1x32x128xi32, #tpu.memory_space<hbm>>
        %dma_wait3A_122 = tpu.memref_squeeze %dma_wait3A_121 : memref<1x32x128xi32, #tpu.memory_space<hbm>> -> memref<32x128xi32, #tpu.memory_space<hbm>>
        %dma_wait3A_123 = arith.constant 52 : i32
        %dma_wait3A_124 = arith.constant 0 : i32
        %dma_wait3A_125 = tpu.memref_slice %arg8[%dma_wait3A_123, %dma_wait3A_124] : memref<136x128xi32, #tpu.memory_space<vmem>> -> memref<32x128xi32, #tpu.memory_space<vmem>>
        tpu.wait_dma2 semaphore(%run_scoped3A : memref<!tpu.dma_semaphore, #tpu.memory_space<semaphore_mem>>) src(%dma_wait3A_125 : memref<32x128xi32, #tpu.memory_space<vmem>>) dst(%dma_wait3A_122 : memref<32x128xi32, #tpu.memory_space<hbm>>)
        tpu.yield
      }) : () -> ()
      %mul3A_93 = arith.constant 4 : i32
      %mul3A_94 = arith.muli %add3A_68, %mul3A_93 : i32
      %add3A_95 = arith.addi %mul3A_4, %mul3A_94 : i32
      %add3A_96 = arith.constant 3 : i32
      %add3A_97 = arith.addi %add3A_95, %add3A_96 : i32
      "tpu.region"() ({
        %run_scoped3A = tpu.sem_alloc : memref<!tpu.dma_semaphore, #tpu.memory_space<semaphore_mem>>
        %dma_start3A_98 = arith.constant 78 : i32
        %dma_start3A_99 = arith.constant 0 : i32
        %dma_start3A_100 = tpu.memref_slice %arg8[%dma_start3A_98, %dma_start3A_99] : memref<136x128xi32, #tpu.memory_space<vmem>> -> memref<32x128xi32, #tpu.memory_space<vmem>>
        %dma_start3A_101 = arith.constant 0 : i32
        %dma_start3A_102 = arith.constant 0 : i32
        %dma_start3A_103 = tpu.memref_slice %arg4[%add3A_97, %dma_start3A_101, %dma_start3A_102] : memref<16384x32x128xi32, #tpu.memory_space<hbm>> -> memref<1x32x128xi32, #tpu.memory_space<hbm>>
        %dma_start3A_104 = tpu.memref_squeeze %dma_start3A_103 : memref<1x32x128xi32, #tpu.memory_space<hbm>> -> memref<32x128xi32, #tpu.memory_space<hbm>>
        %dma_start3A_105 = arith.constant 0 : i32
        %dma_start3A_106 = arith.constant 0 : i32
        %dma_start3A_107 = tpu.memref_slice %arg4[%add3A_97, %dma_start3A_105, %dma_start3A_106] : memref<16384x32x128xi32, #tpu.memory_space<hbm>> -> memref<1x32x128xi32, #tpu.memory_space<hbm>>
        %dma_start3A_108 = tpu.memref_squeeze %dma_start3A_107 : memref<1x32x128xi32, #tpu.memory_space<hbm>> -> memref<32x128xi32, #tpu.memory_space<hbm>>
        %dma_start3A_109 = arith.constant 78 : i32
        %dma_start3A_110 = arith.constant 0 : i32
        %dma_start3A_111 = tpu.memref_slice %arg8[%dma_start3A_109, %dma_start3A_110] : memref<136x128xi32, #tpu.memory_space<vmem>> -> memref<32x128xi32, #tpu.memory_space<vmem>>
        tpu.enqueue_dma source(%dma_start3A_111 : memref<32x128xi32, #tpu.memory_space<vmem>>) target(%dma_start3A_108 : memref<32x128xi32, #tpu.memory_space<hbm>>) target_semaphore(%run_scoped3A : memref<!tpu.dma_semaphore, #tpu.memory_space<semaphore_mem>>)
        %dma_wait3A_112 = arith.constant 78 : i32
        %dma_wait3A_113 = arith.constant 0 : i32
        %dma_wait3A_114 = tpu.memref_slice %arg8[%dma_wait3A_112, %dma_wait3A_113] : memref<136x128xi32, #tpu.memory_space<vmem>> -> memref<32x128xi32, #tpu.memory_space<vmem>>
        %dma_wait3A_115 = arith.constant 0 : i32
        %dma_wait3A_116 = arith.constant 0 : i32
        %dma_wait3A_117 = tpu.memref_slice %arg4[%add3A_97, %dma_wait3A_115, %dma_wait3A_116] : memref<16384x32x128xi32, #tpu.memory_space<hbm>> -> memref<1x32x128xi32, #tpu.memory_space<hbm>>
        %dma_wait3A_118 = tpu.memref_squeeze %dma_wait3A_117 : memref<1x32x128xi32, #tpu.memory_space<hbm>> -> memref<32x128xi32, #tpu.memory_space<hbm>>
        %dma_wait3A_119 = arith.constant 0 : i32
        %dma_wait3A_120 = arith.constant 0 : i32
        %dma_wait3A_121 = tpu.memref_slice %arg4[%add3A_97, %dma_wait3A_119, %dma_wait3A_120] : memref<16384x32x128xi32, #tpu.memory_space<hbm>> -> memref<1x32x128xi32, #tpu.memory_space<hbm>>
        %dma_wait3A_122 = tpu.memref_squeeze %dma_wait3A_121 : memref<1x32x128xi32, #tpu.memory_space<hbm>> -> memref<32x128xi32, #tpu.memory_space<hbm>>
        %dma_wait3A_123 = arith.constant 78 : i32
        %dma_wait3A_124 = arith.constant 0 : i32
        %dma_wait3A_125 = tpu.memref_slice %arg8[%dma_wait3A_123, %dma_wait3A_124] : memref<136x128xi32, #tpu.memory_space<vmem>> -> memref<32x128xi32, #tpu.memory_space<vmem>>
        tpu.wait_dma2 semaphore(%run_scoped3A : memref<!tpu.dma_semaphore, #tpu.memory_space<semaphore_mem>>) src(%dma_wait3A_125 : memref<32x128xi32, #tpu.memory_space<vmem>>) dst(%dma_wait3A_122 : memref<32x128xi32, #tpu.memory_space<hbm>>)
        tpu.yield
      }) : () -> ()
    }
    %scan3A_20 = arith.constant 64 : i32
    return
  }
}

module attributes {stable_mosaic.version = 14 : i64} {
  func.func @_prep_body(%arg0: memref<160x8xf32, #tpu.memory_space<vmem>>, %arg1: memref<8x800xf32, #tpu.memory_space<vmem>>, %arg2: memref<640x8xf32, #tpu.memory_space<vmem>>, %arg3: memref<8x50xf32, #tpu.memory_space<vmem>>, %arg4: memref<160x800xf32, #tpu.memory_space<vmem>>, %arg5: memref<640x50xf32, #tpu.memory_space<vmem>>) attributes {dimension_semantics = [], scalar_prefetch = 0 : i64, scratch_operands = 0 : i64, tpu.core_type = #tpu.core_type<tc>} {
    %get3A = arith.constant 0 : index
    %get3A_0 = arith.constant 0 : index
    %get3A_1 = vector.load %arg0[%get3A, %get3A_0] : memref<160x8xf32, #tpu.memory_space<vmem>>, vector<160x8xf32>
    %get3A_2 = arith.constant 0 : index
    %get3A_3 = arith.constant 0 : index
    %get3A_4 = vector.load %arg1[%get3A_2, %get3A_3] : memref<8x800xf32, #tpu.memory_space<vmem>>, vector<8x800xf32>
    %dot_general3A = arith.constant dense<0.000000e+00> : vector<160x800xf32>
    %dot_general3A_5 = tpu.matmul %get3A_1, %get3A_4, %dot_general3A {dimension_numbers = #tpu.dot_dimension_numbers<[1], [0], [0], [1], [0, 0, 1, 1], [], []>, transpose_lhs_hint = false} : vector<160x8xf32>, vector<8x800xf32>, vector<160x800xf32> -> vector<160x800xf32>
    %swap3A = arith.constant 0 : index
    %swap3A_6 = arith.constant 0 : index
    %swap3A_7 = vector.load %arg4[%swap3A, %swap3A_6] : memref<160x800xf32, #tpu.memory_space<vmem>>, vector<160x800xf32>
    tpu.vector_store %arg4[%swap3A, %swap3A_6], %dot_general3A_5 {strides = array<i32>} : memref<160x800xf32, #tpu.memory_space<vmem>>, vector<160x800xf32>,
    %get3A_8 = arith.constant 0 : index
    %get3A_9 = arith.constant 0 : index
    %get3A_10 = vector.load %arg2[%get3A_8, %get3A_9] : memref<640x8xf32, #tpu.memory_space<vmem>>, vector<640x8xf32>
    %get3A_11 = arith.constant 0 : index
    %get3A_12 = arith.constant 0 : index
    %get3A_13 = vector.load %arg3[%get3A_11, %get3A_12] : memref<8x50xf32, #tpu.memory_space<vmem>>, vector<8x50xf32>
    %dot_general3A_14 = arith.constant dense<0.000000e+00> : vector<640x50xf32>
    %dot_general3A_15 = tpu.matmul %get3A_10, %get3A_13, %dot_general3A_14 {dimension_numbers = #tpu.dot_dimension_numbers<[1], [0], [0], [1], [0, 0, 1, 1], [], []>, transpose_lhs_hint = false} : vector<640x8xf32>, vector<8x50xf32>, vector<640x50xf32> -> vector<640x50xf32>
    %swap3A_16 = arith.constant 0 : index
    %swap3A_17 = arith.constant 0 : index
    %swap3A_18 = vector.load %arg5[%swap3A_16, %swap3A_17] : memref<640x50xf32, #tpu.memory_space<vmem>>, vector<640x50xf32>
    tpu.vector_store %arg5[%swap3A_16, %swap3A_17], %dot_general3A_15 {strides = array<i32>} : memref<640x50xf32, #tpu.memory_space<vmem>>, vector<640x50xf32>,
    return
  }
}

module attributes {stable_mosaic.version = 14 : i64} {
  func.func @_ebuild_body(%arg0: i32, %arg1: memref<4x8x128xf32, #tpu.memory_space<vmem>>, %arg2: memref<8x1000x128xf32, #tpu.memory_space<vmem>>, %arg3: memref<2000x128xi32, #tpu.memory_space<vmem>>) attributes {dimension_semantics = [#tpu.dimension_semantics<arbitrary>], iteration_bounds = array<i64: 125>, scalar_prefetch = 0 : i64, scratch_operands = 0 : i64, tpu.core_type = #tpu.core_type<tc>, window_params = [{transform_indices = @transform_0, window_bounds = array<i64: 4, 8, 128>}, {pipeline_mode = #tpu.pipeline_mode<synchronous>, transform_indices = @transform_1, window_bounds = array<i64: 8, 1000, 128>}, {transform_indices = @transform_2, window_bounds = array<i64: 2000, 128>}]} {
    %get3A = arith.constant 0 : index
    %get3A_0 = arith.constant 0 : index
    %get3A_1 = arith.constant 0 : index
    %get3A_2 = vector.load %arg2[%get3A, %get3A_0, %get3A_1] : memref<8x1000x128xf32, #tpu.memory_space<vmem>>, vector<1x1000x128xf32>
    %get3A_3 = vector.shape_cast %get3A_2 : vector<1x1000x128xf32> to vector<1000x128xf32>
    %get3A_4 = arith.constant 0 : index
    %get3A_5 = arith.constant 0 : index
    %get3A_6 = arith.constant 0 : index
    %get3A_7 = vector.load %arg1[%get3A_4, %get3A_5, %get3A_6] : memref<4x8x128xf32, #tpu.memory_space<vmem>>, vector<1x1x128xf32>
    %get3A_8 = vector.shape_cast %get3A_7 : vector<1x1x128xf32> to vector<128xf32>
    %broadcast_in_dim3A = vector.shape_cast %get3A_8 : vector<128xf32> to vector<1x128xf32>
    %mul3A = vector.broadcast %broadcast_in_dim3A : vector<1x128xf32> to vector<1000x128xf32>
    %mul3A_9 = arith.mulf %get3A_3, %mul3A : vector<1000x128xf32>
    %get3A_10 = arith.constant 1 : index
    %get3A_11 = arith.constant 0 : index
    %get3A_12 = arith.constant 0 : index
    %get3A_13 = vector.load %arg2[%get3A_10, %get3A_11, %get3A_12] : memref<8x1000x128xf32, #tpu.memory_space<vmem>>, vector<1x1000x128xf32>
    %get3A_14 = vector.shape_cast %get3A_13 : vector<1x1000x128xf32> to vector<1000x128xf32>
    %get3A_15 = arith.constant 0 : index
    %get3A_16 = arith.constant 1 : index
    %get3A_17 = arith.constant 0 : index
    %get3A_18 = vector.load %arg1[%get3A_15, %get3A_16, %get3A_17] : memref<4x8x128xf32, #tpu.memory_space<vmem>>, vector<1x1x128xf32>
    %get3A_19 = vector.shape_cast %get3A_18 : vector<1x1x128xf32> to vector<128xf32>
    %broadcast_in_dim3A_20 = vector.shape_cast %get3A_19 : vector<128xf32> to vector<1x128xf32>
    %mul3A_21 = vector.broadcast %broadcast_in_dim3A_20 : vector<1x128xf32> to vector<1000x128xf32>
    %mul3A_22 = arith.mulf %get3A_14, %mul3A_21 : vector<1000x128xf32>
    %add3A = arith.addf %mul3A_9, %mul3A_22 : vector<1000x128xf32>
    %get3A_23 = arith.constant 2 : index
    %get3A_24 = arith.constant 0 : index
    %get3A_25 = arith.constant 0 : index
    %get3A_26 = vector.load %arg2[%get3A_23, %get3A_24, %get3A_25] : memref<8x1000x128xf32, #tpu.memory_space<vmem>>, vector<1x1000x128xf32>
    %get3A_27 = vector.shape_cast %get3A_26 : vector<1x1000x128xf32> to vector<1000x128xf32>
    %get3A_28 = arith.constant 0 : index
    %get3A_29 = arith.constant 2 : index
    %get3A_30 = arith.constant 0 : index
    %get3A_31 = vector.load %arg1[%get3A_28, %get3A_29, %get3A_30] : memref<4x8x128xf32, #tpu.memory_space<vmem>>, vector<1x1x128xf32>
    %get3A_32 = vector.shape_cast %get3A_31 : vector<1x1x128xf32> to vector<128xf32>
    %broadcast_in_dim3A_33 = vector.shape_cast %get3A_32 : vector<128xf32> to vector<1x128xf32>
    %mul3A_34 = vector.broadcast %broadcast_in_dim3A_33 : vector<1x128xf32> to vector<1000x128xf32>
    %mul3A_35 = arith.mulf %get3A_27, %mul3A_34 : vector<1000x128xf32>
    %add3A_36 = arith.addf %add3A, %mul3A_35 : vector<1000x128xf32>
    %get3A_37 = arith.constant 3 : index
    %get3A_38 = arith.constant 0 : index
    %get3A_39 = arith.constant 0 : index
    %get3A_40 = vector.load %arg2[%get3A_37, %get3A_38, %get3A_39] : memref<8x1000x128xf32, #tpu.memory_space<vmem>>, vector<1x1000x128xf32>
    %get3A_41 = vector.shape_cast %get3A_40 : vector<1x1000x128xf32> to vector<1000x128xf32>
    %get3A_42 = arith.constant 0 : index
    %get3A_43 = arith.constant 3 : index
    %get3A_44 = arith.constant 0 : index
    %get3A_45 = vector.load %arg1[%get3A_42, %get3A_43, %get3A_44] : memref<4x8x128xf32, #tpu.memory_space<vmem>>, vector<1x1x128xf32>
    %get3A_46 = vector.shape_cast %get3A_45 : vector<1x1x128xf32> to vector<128xf32>
    %broadcast_in_dim3A_47 = vector.shape_cast %get3A_46 : vector<128xf32> to vector<1x128xf32>
    %mul3A_48 = vector.broadcast %broadcast_in_dim3A_47 : vector<1x128xf32> to vector<1000x128xf32>
    %mul3A_49 = arith.mulf %get3A_41, %mul3A_48 : vector<1000x128xf32>
    %add3A_50 = arith.addf %add3A_36, %mul3A_49 : vector<1000x128xf32>
    %get3A_51 = arith.constant 4 : index
    %get3A_52 = arith.constant 0 : index
    %get3A_53 = arith.constant 0 : index
    %get3A_54 = vector.load %arg2[%get3A_51, %get3A_52, %get3A_53] : memref<8x1000x128xf32, #tpu.memory_space<vmem>>, vector<1x1000x128xf32>
    %get3A_55 = vector.shape_cast %get3A_54 : vector<1x1000x128xf32> to vector<1000x128xf32>
    %get3A_56 = arith.constant 0 : index
    %get3A_57 = arith.constant 4 : index
    %get3A_58 = arith.constant 0 : index
    %get3A_59 = vector.load %arg1[%get3A_56, %get3A_57, %get3A_58] : memref<4x8x128xf32, #tpu.memory_space<vmem>>, vector<1x1x128xf32>
    %get3A_60 = vector.shape_cast %get3A_59 : vector<1x1x128xf32> to vector<128xf32>
    %broadcast_in_dim3A_61 = vector.shape_cast %get3A_60 : vector<128xf32> to vector<1x128xf32>
    %mul3A_62 = vector.broadcast %broadcast_in_dim3A_61 : vector<1x128xf32> to vector<1000x128xf32>
    %mul3A_63 = arith.mulf %get3A_55, %mul3A_62 : vector<1000x128xf32>
    %add3A_64 = arith.addf %add3A_50, %mul3A_63 : vector<1000x128xf32>
    %get3A_65 = arith.constant 5 : index
    %get3A_66 = arith.constant 0 : index
    %get3A_67 = arith.constant 0 : index
    %get3A_68 = vector.load %arg2[%get3A_65, %get3A_66, %get3A_67] : memref<8x1000x128xf32, #tpu.memory_space<vmem>>, vector<1x1000x128xf32>
    %get3A_69 = vector.shape_cast %get3A_68 : vector<1x1000x128xf32> to vector<1000x128xf32>
    %get3A_70 = arith.constant 0 : index
    %get3A_71 = arith.constant 5 : index
    %get3A_72 = arith.constant 0 : index
    %get3A_73 = vector.load %arg1[%get3A_70, %get3A_71, %get3A_72] : memref<4x8x128xf32, #tpu.memory_space<vmem>>, vector<1x1x128xf32>
    %get3A_74 = vector.shape_cast %get3A_73 : vector<1x1x128xf32> to vector<128xf32>
    %broadcast_in_dim3A_75 = vector.shape_cast %get3A_74 : vector<128xf32> to vector<1x128xf32>
    %mul3A_76 = vector.broadcast %broadcast_in_dim3A_75 : vector<1x128xf32> to vector<1000x128xf32>
    %mul3A_77 = arith.mulf %get3A_69, %mul3A_76 : vector<1000x128xf32>
    %add3A_78 = arith.addf %add3A_64, %mul3A_77 : vector<1000x128xf32>
    %get3A_79 = arith.constant 6 : index
    %get3A_80 = arith.constant 0 : index
    %get3A_81 = arith.constant 0 : index
    %get3A_82 = vector.load %arg2[%get3A_79, %get3A_80, %get3A_81] : memref<8x1000x128xf32, #tpu.memory_space<vmem>>, vector<1x1000x128xf32>
    %get3A_83 = vector.shape_cast %get3A_82 : vector<1x1000x128xf32> to vector<1000x128xf32>
    %get3A_84 = arith.constant 0 : index
    %get3A_85 = arith.constant 6 : index
    %get3A_86 = arith.constant 0 : index
    %get3A_87 = vector.load %arg1[%get3A_84, %get3A_85, %get3A_86] : memref<4x8x128xf32, #tpu.memory_space<vmem>>, vector<1x1x128xf32>
    %get3A_88 = vector.shape_cast %get3A_87 : vector<1x1x128xf32> to vector<128xf32>
    %broadcast_in_dim3A_89 = vector.shape_cast %get3A_88 : vector<128xf32> to vector<1x128xf32>
    %mul3A_90 = vector.broadcast %broadcast_in_dim3A_89 : vector<1x128xf32> to vector<1000x128xf32>
    %mul3A_91 = arith.mulf %get3A_83, %mul3A_90 : vector<1000x128xf32>
    %add3A_92 = arith.addf %add3A_78, %mul3A_91 : vector<1000x128xf32>
    %get3A_93 = arith.constant 7 : index
    %get3A_94 = arith.constant 0 : index
    %get3A_95 = arith.constant 0 : index
    %get3A_96 = vector.load %arg2[%get3A_93, %get3A_94, %get3A_95] : memref<8x1000x128xf32, #tpu.memory_space<vmem>>, vector<1x1000x128xf32>
    %get3A_97 = vector.shape_cast %get3A_96 : vector<1x1000x128xf32> to vector<1000x128xf32>
    %get3A_98 = arith.constant 0 : index
    %get3A_99 = arith.constant 7 : index
    %get3A_100 = arith.constant 0 : index
    %get3A_101 = vector.load %arg1[%get3A_98, %get3A_99, %get3A_100] : memref<4x8x128xf32, #tpu.memory_space<vmem>>, vector<1x1x128xf32>
    %get3A_102 = vector.shape_cast %get3A_101 : vector<1x1x128xf32> to vector<128xf32>
    %broadcast_in_dim3A_103 = vector.shape_cast %get3A_102 : vector<128xf32> to vector<1x128xf32>
    %mul3A_104 = vector.broadcast %broadcast_in_dim3A_103 : vector<1x128xf32> to vector<1000x128xf32>
    %mul3A_105 = arith.mulf %get3A_97, %mul3A_104 : vector<1000x128xf32>
    %add3A_106 = arith.addf %add3A_92, %mul3A_105 : vector<1000x128xf32>
    %slice3A = vector.extract_strided_slice %add3A_106 {offsets = [0, 0], sizes = [1000, 64], strides = [1, 1]} : vector<1000x128xf32> to vector<1000x64xf32>
    %bitcast_convert_type3A = tpu.bitcast %slice3A : vector<1000x64xf32> -> vector<1000x64xi32>
    %add3A_107 = arith.constant 32767 : i32
    %add3A_108 = vector.broadcast %add3A_107 : i32 to vector<1000x64xi32>
    %add3A_109 = arith.addi %bitcast_convert_type3A, %add3A_108 : vector<1000x64xi32>
    %shift_right_arithmetic3A = arith.constant 16 : i32
    %shift_right_arithmetic3A_110 = vector.broadcast %shift_right_arithmetic3A : i32 to vector<1000x64xi32>
    %shift_right_arithmetic3A_111 = arith.shrsi %bitcast_convert_type3A, %shift_right_arithmetic3A_110 : vector<1000x64xi32>
    %and3A = arith.constant 1 : i32
    %and3A_112 = vector.broadcast %and3A : i32 to vector<1000x64xi32>
    %and3A_113 = arith.andi %shift_right_arithmetic3A_111, %and3A_112 : vector<1000x64xi32>
    %add3A_114 = arith.addi %add3A_109, %and3A_113 : vector<1000x64xi32>
    %shift_right_logical3A = arith.constant 16 : i32
    %shift_right_logical3A_115 = vector.broadcast %shift_right_logical3A : i32 to vector<1000x64xi32>
    %shift_right_logical3A_116 = arith.shrui %add3A_114, %shift_right_logical3A_115 : vector<1000x64xi32>
    %slice3A_117 = vector.extract_strided_slice %add3A_106 {offsets = [0, 64], sizes = [1000, 64], strides = [1, 1]} : vector<1000x128xf32> to vector<1000x64xf32>
    %bitcast_convert_type3A_118 = tpu.bitcast %slice3A_117 : vector<1000x64xf32> -> vector<1000x64xi32>
    %add3A_119 = arith.constant 32767 : i32
    %add3A_120 = vector.broadcast %add3A_119 : i32 to vector<1000x64xi32>
    %add3A_121 = arith.addi %bitcast_convert_type3A_118, %add3A_120 : vector<1000x64xi32>
    %shift_right_arithmetic3A_122 = arith.constant 16 : i32
    %shift_right_arithmetic3A_123 = vector.broadcast %shift_right_arithmetic3A_122 : i32 to vector<1000x64xi32>
    %shift_right_arithmetic3A_124 = arith.shrsi %bitcast_convert_type3A_118, %shift_right_arithmetic3A_123 : vector<1000x64xi32>
    %and3A_125 = arith.constant 1 : i32
    %and3A_126 = vector.broadcast %and3A_125 : i32 to vector<1000x64xi32>
    %and3A_127 = arith.andi %shift_right_arithmetic3A_124, %and3A_126 : vector<1000x64xi32>
    %add3A_128 = arith.addi %add3A_121, %and3A_127 : vector<1000x64xi32>
    %and3A_129 = arith.constant -65536 : i32
    %and3A_130 = vector.broadcast %and3A_129 : i32 to vector<1000x64xi32>
    %and3A_131 = arith.andi %add3A_128, %and3A_130 : vector<1000x64xi32>
    %or3A = arith.ori %shift_right_logical3A_116, %and3A_131 : vector<1000x64xi32>
    %get3A_132 = arith.constant 0 : index
    %get3A_133 = arith.constant 0 : index
    %get3A_134 = arith.constant 0 : index
    %get3A_135 = vector.load %arg2[%get3A_132, %get3A_133, %get3A_134] : memref<8x1000x128xf32, #tpu.memory_space<vmem>>, vector<1x1000x128xf32>
    %get3A_136 = vector.shape_cast %get3A_135 : vector<1x1000x128xf32> to vector<1000x128xf32>
    %get3A_137 = arith.constant 1 : index
    %get3A_138 = arith.constant 0 : index
    %get3A_139 = arith.constant 0 : index
    %get3A_140 = vector.load %arg1[%get3A_137, %get3A_138, %get3A_139] : memref<4x8x128xf32, #tpu.memory_space<vmem>>, vector<1x1x128xf32>
    %get3A_141 = vector.shape_cast %get3A_140 : vector<1x1x128xf32> to vector<128xf32>
    %broadcast_in_dim3A_142 = vector.shape_cast %get3A_141 : vector<128xf32> to vector<1x128xf32>
    %mul3A_143 = vector.broadcast %broadcast_in_dim3A_142 : vector<1x128xf32> to vector<1000x128xf32>
    %mul3A_144 = arith.mulf %get3A_136, %mul3A_143 : vector<1000x128xf32>
    %get3A_145 = arith.constant 1 : index
    %get3A_146 = arith.constant 0 : index
    %get3A_147 = arith.constant 0 : index
    %get3A_148 = vector.load %arg2[%get3A_145, %get3A_146, %get3A_147] : memref<8x1000x128xf32, #tpu.memory_space<vmem>>, vector<1x1000x128xf32>
    %get3A_149 = vector.shape_cast %get3A_148 : vector<1x1000x128xf32> to vector<1000x128xf32>
    %get3A_150 = arith.constant 1 : index
    %get3A_151 = arith.constant 1 : index
    %get3A_152 = arith.constant 0 : index
    %get3A_153 = vector.load %arg1[%get3A_150, %get3A_151, %get3A_152] : memref<4x8x128xf32, #tpu.memory_space<vmem>>, vector<1x1x128xf32>
    %get3A_154 = vector.shape_cast %get3A_153 : vector<1x1x128xf32> to vector<128xf32>
    %broadcast_in_dim3A_155 = vector.shape_cast %get3A_154 : vector<128xf32> to vector<1x128xf32>
    %mul3A_156 = vector.broadcast %broadcast_in_dim3A_155 : vector<1x128xf32> to vector<1000x128xf32>
    %mul3A_157 = arith.mulf %get3A_149, %mul3A_156 : vector<1000x128xf32>
    %add3A_158 = arith.addf %mul3A_144, %mul3A_157 : vector<1000x128xf32>
    %get3A_159 = arith.constant 2 : index
    %get3A_160 = arith.constant 0 : index
    %get3A_161 = arith.constant 0 : index
    %get3A_162 = vector.load %arg2[%get3A_159, %get3A_160, %get3A_161] : memref<8x1000x128xf32, #tpu.memory_space<vmem>>, vector<1x1000x128xf32>
    %get3A_163 = vector.shape_cast %get3A_162 : vector<1x1000x128xf32> to vector<1000x128xf32>
    %get3A_164 = arith.constant 1 : index
    %get3A_165 = arith.constant 2 : index
    %get3A_166 = arith.constant 0 : index
    %get3A_167 = vector.load %arg1[%get3A_164, %get3A_165, %get3A_166] : memref<4x8x128xf32, #tpu.memory_space<vmem>>, vector<1x1x128xf32>
    %get3A_168 = vector.shape_cast %get3A_167 : vector<1x1x128xf32> to vector<128xf32>
    %broadcast_in_dim3A_169 = vector.shape_cast %get3A_168 : vector<128xf32> to vector<1x128xf32>
    %mul3A_170 = vector.broadcast %broadcast_in_dim3A_169 : vector<1x128xf32> to vector<1000x128xf32>
    %mul3A_171 = arith.mulf %get3A_163, %mul3A_170 : vector<1000x128xf32>
    %add3A_172 = arith.addf %add3A_158, %mul3A_171 : vector<1000x128xf32>
    %get3A_173 = arith.constant 3 : index
    %get3A_174 = arith.constant 0 : index
    %get3A_175 = arith.constant 0 : index
    %get3A_176 = vector.load %arg2[%get3A_173, %get3A_174, %get3A_175] : memref<8x1000x128xf32, #tpu.memory_space<vmem>>, vector<1x1000x128xf32>
    %get3A_177 = vector.shape_cast %get3A_176 : vector<1x1000x128xf32> to vector<1000x128xf32>
    %get3A_178 = arith.constant 1 : index
    %get3A_179 = arith.constant 3 : index
    %get3A_180 = arith.constant 0 : index
    %get3A_181 = vector.load %arg1[%get3A_178, %get3A_179, %get3A_180] : memref<4x8x128xf32, #tpu.memory_space<vmem>>, vector<1x1x128xf32>
    %get3A_182 = vector.shape_cast %get3A_181 : vector<1x1x128xf32> to vector<128xf32>
    %broadcast_in_dim3A_183 = vector.shape_cast %get3A_182 : vector<128xf32> to vector<1x128xf32>
    %mul3A_184 = vector.broadcast %broadcast_in_dim3A_183 : vector<1x128xf32> to vector<1000x128xf32>
    %mul3A_185 = arith.mulf %get3A_177, %mul3A_184 : vector<1000x128xf32>
    %add3A_186 = arith.addf %add3A_172, %mul3A_185 : vector<1000x128xf32>
    %get3A_187 = arith.constant 4 : index
    %get3A_188 = arith.constant 0 : index
    %get3A_189 = arith.constant 0 : index
    %get3A_190 = vector.load %arg2[%get3A_187, %get3A_188, %get3A_189] : memref<8x1000x128xf32, #tpu.memory_space<vmem>>, vector<1x1000x128xf32>
    %get3A_191 = vector.shape_cast %get3A_190 : vector<1x1000x128xf32> to vector<1000x128xf32>
    %get3A_192 = arith.constant 1 : index
    %get3A_193 = arith.constant 4 : index
    %get3A_194 = arith.constant 0 : index
    %get3A_195 = vector.load %arg1[%get3A_192, %get3A_193, %get3A_194] : memref<4x8x128xf32, #tpu.memory_space<vmem>>, vector<1x1x128xf32>
    %get3A_196 = vector.shape_cast %get3A_195 : vector<1x1x128xf32> to vector<128xf32>
    %broadcast_in_dim3A_197 = vector.shape_cast %get3A_196 : vector<128xf32> to vector<1x128xf32>
    %mul3A_198 = vector.broadcast %broadcast_in_dim3A_197 : vector<1x128xf32> to vector<1000x128xf32>
    %mul3A_199 = arith.mulf %get3A_191, %mul3A_198 : vector<1000x128xf32>
    %add3A_200 = arith.addf %add3A_186, %mul3A_199 : vector<1000x128xf32>
    %get3A_201 = arith.constant 5 : index
    %get3A_202 = arith.constant 0 : index
    %get3A_203 = arith.constant 0 : index
    %get3A_204 = vector.load %arg2[%get3A_201, %get3A_202, %get3A_203] : memref<8x1000x128xf32, #tpu.memory_space<vmem>>, vector<1x1000x128xf32>
    %get3A_205 = vector.shape_cast %get3A_204 : vector<1x1000x128xf32> to vector<1000x128xf32>
    %get3A_206 = arith.constant 1 : index
    %get3A_207 = arith.constant 5 : index
    %get3A_208 = arith.constant 0 : index
    %get3A_209 = vector.load %arg1[%get3A_206, %get3A_207, %get3A_208] : memref<4x8x128xf32, #tpu.memory_space<vmem>>, vector<1x1x128xf32>
    %get3A_210 = vector.shape_cast %get3A_209 : vector<1x1x128xf32> to vector<128xf32>
    %broadcast_in_dim3A_211 = vector.shape_cast %get3A_210 : vector<128xf32> to vector<1x128xf32>
    %mul3A_212 = vector.broadcast %broadcast_in_dim3A_211 : vector<1x128xf32> to vector<1000x128xf32>
    %mul3A_213 = arith.mulf %get3A_205, %mul3A_212 : vector<1000x128xf32>
    %add3A_214 = arith.addf %add3A_200, %mul3A_213 : vector<1000x128xf32>
    %get3A_215 = arith.constant 6 : index
    %get3A_216 = arith.constant 0 : index
    %get3A_217 = arith.constant 0 : index
    %get3A_218 = vector.load %arg2[%get3A_215, %get3A_216, %get3A_217] : memref<8x1000x128xf32, #tpu.memory_space<vmem>>, vector<1x1000x128xf32>
    %get3A_219 = vector.shape_cast %get3A_218 : vector<1x1000x128xf32> to vector<1000x128xf32>
    %get3A_220 = arith.constant 1 : index
    %get3A_221 = arith.constant 6 : index
    %get3A_222 = arith.constant 0 : index
    %get3A_223 = vector.load %arg1[%get3A_220, %get3A_221, %get3A_222] : memref<4x8x128xf32, #tpu.memory_space<vmem>>, vector<1x1x128xf32>
    %get3A_224 = vector.shape_cast %get3A_223 : vector<1x1x128xf32> to vector<128xf32>
    %broadcast_in_dim3A_225 = vector.shape_cast %get3A_224 : vector<128xf32> to vector<1x128xf32>
    %mul3A_226 = vector.broadcast %broadcast_in_dim3A_225 : vector<1x128xf32> to vector<1000x128xf32>
    %mul3A_227 = arith.mulf %get3A_219, %mul3A_226 : vector<1000x128xf32>
    %add3A_228 = arith.addf %add3A_214, %mul3A_227 : vector<1000x128xf32>
    %get3A_229 = arith.constant 7 : index
    %get3A_230 = arith.constant 0 : index
    %get3A_231 = arith.constant 0 : index
    %get3A_232 = vector.load %arg2[%get3A_229, %get3A_230, %get3A_231] : memref<8x1000x128xf32, #tpu.memory_space<vmem>>, vector<1x1000x128xf32>
    %get3A_233 = vector.shape_cast %get3A_232 : vector<1x1000x128xf32> to vector<1000x128xf32>
    %get3A_234 = arith.constant 1 : index
    %get3A_235 = arith.constant 7 : index
    %get3A_236 = arith.constant 0 : index
    %get3A_237 = vector.load %arg1[%get3A_234, %get3A_235, %get3A_236] : memref<4x8x128xf32, #tpu.memory_space<vmem>>, vector<1x1x128xf32>
    %get3A_238 = vector.shape_cast %get3A_237 : vector<1x1x128xf32> to vector<128xf32>
    %broadcast_in_dim3A_239 = vector.shape_cast %get3A_238 : vector<128xf32> to vector<1x128xf32>
    %mul3A_240 = vector.broadcast %broadcast_in_dim3A_239 : vector<1x128xf32> to vector<1000x128xf32>
    %mul3A_241 = arith.mulf %get3A_233, %mul3A_240 : vector<1000x128xf32>
    %add3A_242 = arith.addf %add3A_228, %mul3A_241 : vector<1000x128xf32>
    %slice3A_243 = vector.extract_strided_slice %add3A_242 {offsets = [0, 0], sizes = [1000, 64], strides = [1, 1]} : vector<1000x128xf32> to vector<1000x64xf32>
    %bitcast_convert_type3A_244 = tpu.bitcast %slice3A_243 : vector<1000x64xf32> -> vector<1000x64xi32>
    %add3A_245 = arith.constant 32767 : i32
    %add3A_246 = vector.broadcast %add3A_245 : i32 to vector<1000x64xi32>
    %add3A_247 = arith.addi %bitcast_convert_type3A_244, %add3A_246 : vector<1000x64xi32>
    %shift_right_arithmetic3A_248 = arith.constant 16 : i32
    %shift_right_arithmetic3A_249 = vector.broadcast %shift_right_arithmetic3A_248 : i32 to vector<1000x64xi32>
    %shift_right_arithmetic3A_250 = arith.shrsi %bitcast_convert_type3A_244, %shift_right_arithmetic3A_249 : vector<1000x64xi32>
    %and3A_251 = arith.constant 1 : i32
    %and3A_252 = vector.broadcast %and3A_251 : i32 to vector<1000x64xi32>
    %and3A_253 = arith.andi %shift_right_arithmetic3A_250, %and3A_252 : vector<1000x64xi32>
    %add3A_254 = arith.addi %add3A_247, %and3A_253 : vector<1000x64xi32>
    %shift_right_logical3A_255 = arith.constant 16 : i32
    %shift_right_logical3A_256 = vector.broadcast %shift_right_logical3A_255 : i32 to vector<1000x64xi32>
    %shift_right_logical3A_257 = arith.shrui %add3A_254, %shift_right_logical3A_256 : vector<1000x64xi32>
    %slice3A_258 = vector.extract_strided_slice %add3A_242 {offsets = [0, 64], sizes = [1000, 64], strides = [1, 1]} : vector<1000x128xf32> to vector<1000x64xf32>
    %bitcast_convert_type3A_259 = tpu.bitcast %slice3A_258 : vector<1000x64xf32> -> vector<1000x64xi32>
    %add3A_260 = arith.constant 32767 : i32
    %add3A_261 = vector.broadcast %add3A_260 : i32 to vector<1000x64xi32>
    %add3A_262 = arith.addi %bitcast_convert_type3A_259, %add3A_261 : vector<1000x64xi32>
    %shift_right_arithmetic3A_263 = arith.constant 16 : i32
    %shift_right_arithmetic3A_264 = vector.broadcast %shift_right_arithmetic3A_263 : i32 to vector<1000x64xi32>
    %shift_right_arithmetic3A_265 = arith.shrsi %bitcast_convert_type3A_259, %shift_right_arithmetic3A_264 : vector<1000x64xi32>
    %and3A_266 = arith.constant 1 : i32
    %and3A_267 = vector.broadcast %and3A_266 : i32 to vector<1000x64xi32>
    %and3A_268 = arith.andi %shift_right_arithmetic3A_265, %and3A_267 : vector<1000x64xi32>
    %add3A_269 = arith.addi %add3A_262, %and3A_268 : vector<1000x64xi32>
    %and3A_270 = arith.constant -65536 : i32
    %and3A_271 = vector.broadcast %and3A_270 : i32 to vector<1000x64xi32>
    %and3A_272 = arith.andi %add3A_269, %and3A_271 : vector<1000x64xi32>
    %or3A_273 = arith.ori %shift_right_logical3A_257, %and3A_272 : vector<1000x64xi32>
    %get3A_274 = arith.constant 0 : index
    %get3A_275 = arith.constant 0 : index
    %get3A_276 = arith.constant 0 : index
    %get3A_277 = vector.load %arg2[%get3A_274, %get3A_275, %get3A_276] : memref<8x1000x128xf32, #tpu.memory_space<vmem>>, vector<1x1000x128xf32>
    %get3A_278 = vector.shape_cast %get3A_277 : vector<1x1000x128xf32> to vector<1000x128xf32>
    %get3A_279 = arith.constant 2 : index
    %get3A_280 = arith.constant 0 : index
    %get3A_281 = arith.constant 0 : index
    %get3A_282 = vector.load %arg1[%get3A_279, %get3A_280, %get3A_281] : memref<4x8x128xf32, #tpu.memory_space<vmem>>, vector<1x1x128xf32>
    %get3A_283 = vector.shape_cast %get3A_282 : vector<1x1x128xf32> to vector<128xf32>
    %broadcast_in_dim3A_284 = vector.shape_cast %get3A_283 : vector<128xf32> to vector<1x128xf32>
    %mul3A_285 = vector.broadcast %broadcast_in_dim3A_284 : vector<1x128xf32> to vector<1000x128xf32>
    %mul3A_286 = arith.mulf %get3A_278, %mul3A_285 : vector<1000x128xf32>
    %get3A_287 = arith.constant 1 : index
    %get3A_288 = arith.constant 0 : index
    %get3A_289 = arith.constant 0 : index
    %get3A_290 = vector.load %arg2[%get3A_287, %get3A_288, %get3A_289] : memref<8x1000x128xf32, #tpu.memory_space<vmem>>, vector<1x1000x128xf32>
    %get3A_291 = vector.shape_cast %get3A_290 : vector<1x1000x128xf32> to vector<1000x128xf32>
    %get3A_292 = arith.constant 2 : index
    %get3A_293 = arith.constant 1 : index
    %get3A_294 = arith.constant 0 : index
    %get3A_295 = vector.load %arg1[%get3A_292, %get3A_293, %get3A_294] : memref<4x8x128xf32, #tpu.memory_space<vmem>>, vector<1x1x128xf32>
    %get3A_296 = vector.shape_cast %get3A_295 : vector<1x1x128xf32> to vector<128xf32>
    %broadcast_in_dim3A_297 = vector.shape_cast %get3A_296 : vector<128xf32> to vector<1x128xf32>
    %mul3A_298 = vector.broadcast %broadcast_in_dim3A_297 : vector<1x128xf32> to vector<1000x128xf32>
    %mul3A_299 = arith.mulf %get3A_291, %mul3A_298 : vector<1000x128xf32>
    %add3A_300 = arith.addf %mul3A_286, %mul3A_299 : vector<1000x128xf32>
    %get3A_301 = arith.constant 2 : index
    %get3A_302 = arith.constant 0 : index
    %get3A_303 = arith.constant 0 : index
    %get3A_304 = vector.load %arg2[%get3A_301, %get3A_302, %get3A_303] : memref<8x1000x128xf32, #tpu.memory_space<vmem>>, vector<1x1000x128xf32>
    %get3A_305 = vector.shape_cast %get3A_304 : vector<1x1000x128xf32> to vector<1000x128xf32>
    %get3A_306 = arith.constant 2 : index
    %get3A_307 = arith.constant 2 : index
    %get3A_308 = arith.constant 0 : index
    %get3A_309 = vector.load %arg1[%get3A_306, %get3A_307, %get3A_308] : memref<4x8x128xf32, #tpu.memory_space<vmem>>, vector<1x1x128xf32>
    %get3A_310 = vector.shape_cast %get3A_309 : vector<1x1x128xf32> to vector<128xf32>
    %broadcast_in_dim3A_311 = vector.shape_cast %get3A_310 : vector<128xf32> to vector<1x128xf32>
    %mul3A_312 = vector.broadcast %broadcast_in_dim3A_311 : vector<1x128xf32> to vector<1000x128xf32>
    %mul3A_313 = arith.mulf %get3A_305, %mul3A_312 : vector<1000x128xf32>
    %add3A_314 = arith.addf %add3A_300, %mul3A_313 : vector<1000x128xf32>
    %get3A_315 = arith.constant 3 : index
    %get3A_316 = arith.constant 0 : index
    %get3A_317 = arith.constant 0 : index
    %get3A_318 = vector.load %arg2[%get3A_315, %get3A_316, %get3A_317] : memref<8x1000x128xf32, #tpu.memory_space<vmem>>, vector<1x1000x128xf32>
    %get3A_319 = vector.shape_cast %get3A_318 : vector<1x1000x128xf32> to vector<1000x128xf32>
    %get3A_320 = arith.constant 2 : index
    %get3A_321 = arith.constant 3 : index
    %get3A_322 = arith.constant 0 : index
    %get3A_323 = vector.load %arg1[%get3A_320, %get3A_321, %get3A_322] : memref<4x8x128xf32, #tpu.memory_space<vmem>>, vector<1x1x128xf32>
    %get3A_324 = vector.shape_cast %get3A_323 : vector<1x1x128xf32> to vector<128xf32>
    %broadcast_in_dim3A_325 = vector.shape_cast %get3A_324 : vector<128xf32> to vector<1x128xf32>
    %mul3A_326 = vector.broadcast %broadcast_in_dim3A_325 : vector<1x128xf32> to vector<1000x128xf32>
    %mul3A_327 = arith.mulf %get3A_319, %mul3A_326 : vector<1000x128xf32>
    %add3A_328 = arith.addf %add3A_314, %mul3A_327 : vector<1000x128xf32>
    %get3A_329 = arith.constant 4 : index
    %get3A_330 = arith.constant 0 : index
    %get3A_331 = arith.constant 0 : index
    %get3A_332 = vector.load %arg2[%get3A_329, %get3A_330, %get3A_331] : memref<8x1000x128xf32, #tpu.memory_space<vmem>>, vector<1x1000x128xf32>
    %get3A_333 = vector.shape_cast %get3A_332 : vector<1x1000x128xf32> to vector<1000x128xf32>
    %get3A_334 = arith.constant 2 : index
    %get3A_335 = arith.constant 4 : index
    %get3A_336 = arith.constant 0 : index
    %get3A_337 = vector.load %arg1[%get3A_334, %get3A_335, %get3A_336] : memref<4x8x128xf32, #tpu.memory_space<vmem>>, vector<1x1x128xf32>
    %get3A_338 = vector.shape_cast %get3A_337 : vector<1x1x128xf32> to vector<128xf32>
    %broadcast_in_dim3A_339 = vector.shape_cast %get3A_338 : vector<128xf32> to vector<1x128xf32>
    %mul3A_340 = vector.broadcast %broadcast_in_dim3A_339 : vector<1x128xf32> to vector<1000x128xf32>
    %mul3A_341 = arith.mulf %get3A_333, %mul3A_340 : vector<1000x128xf32>
    %add3A_342 = arith.addf %add3A_328, %mul3A_341 : vector<1000x128xf32>
    %get3A_343 = arith.constant 5 : index
    %get3A_344 = arith.constant 0 : index
    %get3A_345 = arith.constant 0 : index
    %get3A_346 = vector.load %arg2[%get3A_343, %get3A_344, %get3A_345] : memref<8x1000x128xf32, #tpu.memory_space<vmem>>, vector<1x1000x128xf32>
    %get3A_347 = vector.shape_cast %get3A_346 : vector<1x1000x128xf32> to vector<1000x128xf32>
    %get3A_348 = arith.constant 2 : index
    %get3A_349 = arith.constant 5 : index
    %get3A_350 = arith.constant 0 : index
    %get3A_351 = vector.load %arg1[%get3A_348, %get3A_349, %get3A_350] : memref<4x8x128xf32, #tpu.memory_space<vmem>>, vector<1x1x128xf32>
    %get3A_352 = vector.shape_cast %get3A_351 : vector<1x1x128xf32> to vector<128xf32>
    %broadcast_in_dim3A_353 = vector.shape_cast %get3A_352 : vector<128xf32> to vector<1x128xf32>
    %mul3A_354 = vector.broadcast %broadcast_in_dim3A_353 : vector<1x128xf32> to vector<1000x128xf32>
    %mul3A_355 = arith.mulf %get3A_347, %mul3A_354 : vector<1000x128xf32>
    %add3A_356 = arith.addf %add3A_342, %mul3A_355 : vector<1000x128xf32>
    %get3A_357 = arith.constant 6 : index
    %get3A_358 = arith.constant 0 : index
    %get3A_359 = arith.constant 0 : index
    %get3A_360 = vector.load %arg2[%get3A_357, %get3A_358, %get3A_359] : memref<8x1000x128xf32, #tpu.memory_space<vmem>>, vector<1x1000x128xf32>
    %get3A_361 = vector.shape_cast %get3A_360 : vector<1x1000x128xf32> to vector<1000x128xf32>
    %get3A_362 = arith.constant 2 : index
    %get3A_363 = arith.constant 6 : index
    %get3A_364 = arith.constant 0 : index
    %get3A_365 = vector.load %arg1[%get3A_362, %get3A_363, %get3A_364] : memref<4x8x128xf32, #tpu.memory_space<vmem>>, vector<1x1x128xf32>
    %get3A_366 = vector.shape_cast %get3A_365 : vector<1x1x128xf32> to vector<128xf32>
    %broadcast_in_dim3A_367 = vector.shape_cast %get3A_366 : vector<128xf32> to vector<1x128xf32>
    %mul3A_368 = vector.broadcast %broadcast_in_dim3A_367 : vector<1x128xf32> to vector<1000x128xf32>
    %mul3A_369 = arith.mulf %get3A_361, %mul3A_368 : vector<1000x128xf32>
    %add3A_370 = arith.addf %add3A_356, %mul3A_369 : vector<1000x128xf32>
    %get3A_371 = arith.constant 7 : index
    %get3A_372 = arith.constant 0 : index
    %get3A_373 = arith.constant 0 : index
    %get3A_374 = vector.load %arg2[%get3A_371, %get3A_372, %get3A_373] : memref<8x1000x128xf32, #tpu.memory_space<vmem>>, vector<1x1000x128xf32>
    %get3A_375 = vector.shape_cast %get3A_374 : vector<1x1000x128xf32> to vector<1000x128xf32>
    %get3A_376 = arith.constant 2 : index
    %get3A_377 = arith.constant 7 : index
    %get3A_378 = arith.constant 0 : index
    %get3A_379 = vector.load %arg1[%get3A_376, %get3A_377, %get3A_378] : memref<4x8x128xf32, #tpu.memory_space<vmem>>, vector<1x1x128xf32>
    %get3A_380 = vector.shape_cast %get3A_379 : vector<1x1x128xf32> to vector<128xf32>
    %broadcast_in_dim3A_381 = vector.shape_cast %get3A_380 : vector<128xf32> to vector<1x128xf32>
    %mul3A_382 = vector.broadcast %broadcast_in_dim3A_381 : vector<1x128xf32> to vector<1000x128xf32>
    %mul3A_383 = arith.mulf %get3A_375, %mul3A_382 : vector<1000x128xf32>
    %add3A_384 = arith.addf %add3A_370, %mul3A_383 : vector<1000x128xf32>
    %slice3A_385 = vector.extract_strided_slice %add3A_384 {offsets = [0, 0], sizes = [1000, 64], strides = [1, 1]} : vector<1000x128xf32> to vector<1000x64xf32>
    %bitcast_convert_type3A_386 = tpu.bitcast %slice3A_385 : vector<1000x64xf32> -> vector<1000x64xi32>
    %add3A_387 = arith.constant 32767 : i32
    %add3A_388 = vector.broadcast %add3A_387 : i32 to vector<1000x64xi32>
    %add3A_389 = arith.addi %bitcast_convert_type3A_386, %add3A_388 : vector<1000x64xi32>
    %shift_right_arithmetic3A_390 = arith.constant 16 : i32
    %shift_right_arithmetic3A_391 = vector.broadcast %shift_right_arithmetic3A_390 : i32 to vector<1000x64xi32>
    %shift_right_arithmetic3A_392 = arith.shrsi %bitcast_convert_type3A_386, %shift_right_arithmetic3A_391 : vector<1000x64xi32>
    %and3A_393 = arith.constant 1 : i32
    %and3A_394 = vector.broadcast %and3A_393 : i32 to vector<1000x64xi32>
    %and3A_395 = arith.andi %shift_right_arithmetic3A_392, %and3A_394 : vector<1000x64xi32>
    %add3A_396 = arith.addi %add3A_389, %and3A_395 : vector<1000x64xi32>
    %shift_right_logical3A_397 = arith.constant 16 : i32
    %shift_right_logical3A_398 = vector.broadcast %shift_right_logical3A_397 : i32 to vector<1000x64xi32>
    %shift_right_logical3A_399 = arith.shrui %add3A_396, %shift_right_logical3A_398 : vector<1000x64xi32>
    %slice3A_400 = vector.extract_strided_slice %add3A_384 {offsets = [0, 64], sizes = [1000, 64], strides = [1, 1]} : vector<1000x128xf32> to vector<1000x64xf32>
    %bitcast_convert_type3A_401 = tpu.bitcast %slice3A_400 : vector<1000x64xf32> -> vector<1000x64xi32>
    %add3A_402 = arith.constant 32767 : i32
    %add3A_403 = vector.broadcast %add3A_402 : i32 to vector<1000x64xi32>
    %add3A_404 = arith.addi %bitcast_convert_type3A_401, %add3A_403 : vector<1000x64xi32>
    %shift_right_arithmetic3A_405 = arith.constant 16 : i32
    %shift_right_arithmetic3A_406 = vector.broadcast %shift_right_arithmetic3A_405 : i32 to vector<1000x64xi32>
    %shift_right_arithmetic3A_407 = arith.shrsi %bitcast_convert_type3A_401, %shift_right_arithmetic3A_406 : vector<1000x64xi32>
    %and3A_408 = arith.constant 1 : i32
    %and3A_409 = vector.broadcast %and3A_408 : i32 to vector<1000x64xi32>
    %and3A_410 = arith.andi %shift_right_arithmetic3A_407, %and3A_409 : vector<1000x64xi32>
    %add3A_411 = arith.addi %add3A_404, %and3A_410 : vector<1000x64xi32>
    %and3A_412 = arith.constant -65536 : i32
    %and3A_413 = vector.broadcast %and3A_412 : i32 to vector<1000x64xi32>
    %and3A_414 = arith.andi %add3A_411, %and3A_413 : vector<1000x64xi32>
    %or3A_415 = arith.ori %shift_right_logical3A_399, %and3A_414 : vector<1000x64xi32>
    %get3A_416 = arith.constant 0 : index
    %get3A_417 = arith.constant 0 : index
    %get3A_418 = arith.constant 0 : index
    %get3A_419 = vector.load %arg2[%get3A_416, %get3A_417, %get3A_418] : memref<8x1000x128xf32, #tpu.memory_space<vmem>>, vector<1x1000x128xf32>
    %get3A_420 = vector.shape_cast %get3A_419 : vector<1x1000x128xf32> to vector<1000x128xf32>
    %get3A_421 = arith.constant 3 : index
    %get3A_422 = arith.constant 0 : index
    %get3A_423 = arith.constant 0 : index
    %get3A_424 = vector.load %arg1[%get3A_421, %get3A_422, %get3A_423] : memref<4x8x128xf32, #tpu.memory_space<vmem>>, vector<1x1x128xf32>
    %get3A_425 = vector.shape_cast %get3A_424 : vector<1x1x128xf32> to vector<128xf32>
    %broadcast_in_dim3A_426 = vector.shape_cast %get3A_425 : vector<128xf32> to vector<1x128xf32>
    %mul3A_427 = vector.broadcast %broadcast_in_dim3A_426 : vector<1x128xf32> to vector<1000x128xf32>
    %mul3A_428 = arith.mulf %get3A_420, %mul3A_427 : vector<1000x128xf32>
    %get3A_429 = arith.constant 1 : index
    %get3A_430 = arith.constant 0 : index
    %get3A_431 = arith.constant 0 : index
    %get3A_432 = vector.load %arg2[%get3A_429, %get3A_430, %get3A_431] : memref<8x1000x128xf32, #tpu.memory_space<vmem>>, vector<1x1000x128xf32>
    %get3A_433 = vector.shape_cast %get3A_432 : vector<1x1000x128xf32> to vector<1000x128xf32>
    %get3A_434 = arith.constant 3 : index
    %get3A_435 = arith.constant 1 : index
    %get3A_436 = arith.constant 0 : index
    %get3A_437 = vector.load %arg1[%get3A_434, %get3A_435, %get3A_436] : memref<4x8x128xf32, #tpu.memory_space<vmem>>, vector<1x1x128xf32>
    %get3A_438 = vector.shape_cast %get3A_437 : vector<1x1x128xf32> to vector<128xf32>
    %broadcast_in_dim3A_439 = vector.shape_cast %get3A_438 : vector<128xf32> to vector<1x128xf32>
    %mul3A_440 = vector.broadcast %broadcast_in_dim3A_439 : vector<1x128xf32> to vector<1000x128xf32>
    %mul3A_441 = arith.mulf %get3A_433, %mul3A_440 : vector<1000x128xf32>
    %add3A_442 = arith.addf %mul3A_428, %mul3A_441 : vector<1000x128xf32>
    %get3A_443 = arith.constant 2 : index
    %get3A_444 = arith.constant 0 : index
    %get3A_445 = arith.constant 0 : index
    %get3A_446 = vector.load %arg2[%get3A_443, %get3A_444, %get3A_445] : memref<8x1000x128xf32, #tpu.memory_space<vmem>>, vector<1x1000x128xf32>
    %get3A_447 = vector.shape_cast %get3A_446 : vector<1x1000x128xf32> to vector<1000x128xf32>
    %get3A_448 = arith.constant 3 : index
    %get3A_449 = arith.constant 2 : index
    %get3A_450 = arith.constant 0 : index
    %get3A_451 = vector.load %arg1[%get3A_448, %get3A_449, %get3A_450] : memref<4x8x128xf32, #tpu.memory_space<vmem>>, vector<1x1x128xf32>
    %get3A_452 = vector.shape_cast %get3A_451 : vector<1x1x128xf32> to vector<128xf32>
    %broadcast_in_dim3A_453 = vector.shape_cast %get3A_452 : vector<128xf32> to vector<1x128xf32>
    %mul3A_454 = vector.broadcast %broadcast_in_dim3A_453 : vector<1x128xf32> to vector<1000x128xf32>
    %mul3A_455 = arith.mulf %get3A_447, %mul3A_454 : vector<1000x128xf32>
    %add3A_456 = arith.addf %add3A_442, %mul3A_455 : vector<1000x128xf32>
    %get3A_457 = arith.constant 3 : index
    %get3A_458 = arith.constant 0 : index
    %get3A_459 = arith.constant 0 : index
    %get3A_460 = vector.load %arg2[%get3A_457, %get3A_458, %get3A_459] : memref<8x1000x128xf32, #tpu.memory_space<vmem>>, vector<1x1000x128xf32>
    %get3A_461 = vector.shape_cast %get3A_460 : vector<1x1000x128xf32> to vector<1000x128xf32>
    %get3A_462 = arith.constant 3 : index
    %get3A_463 = arith.constant 3 : index
    %get3A_464 = arith.constant 0 : index
    %get3A_465 = vector.load %arg1[%get3A_462, %get3A_463, %get3A_464] : memref<4x8x128xf32, #tpu.memory_space<vmem>>, vector<1x1x128xf32>
    %get3A_466 = vector.shape_cast %get3A_465 : vector<1x1x128xf32> to vector<128xf32>
    %broadcast_in_dim3A_467 = vector.shape_cast %get3A_466 : vector<128xf32> to vector<1x128xf32>
    %mul3A_468 = vector.broadcast %broadcast_in_dim3A_467 : vector<1x128xf32> to vector<1000x128xf32>
    %mul3A_469 = arith.mulf %get3A_461, %mul3A_468 : vector<1000x128xf32>
    %add3A_470 = arith.addf %add3A_456, %mul3A_469 : vector<1000x128xf32>
    %get3A_471 = arith.constant 4 : index
    %get3A_472 = arith.constant 0 : index
    %get3A_473 = arith.constant 0 : index
    %get3A_474 = vector.load %arg2[%get3A_471, %get3A_472, %get3A_473] : memref<8x1000x128xf32, #tpu.memory_space<vmem>>, vector<1x1000x128xf32>
    %get3A_475 = vector.shape_cast %get3A_474 : vector<1x1000x128xf32> to vector<1000x128xf32>
    %get3A_476 = arith.constant 3 : index
    %get3A_477 = arith.constant 4 : index
    %get3A_478 = arith.constant 0 : index
    %get3A_479 = vector.load %arg1[%get3A_476, %get3A_477, %get3A_478] : memref<4x8x128xf32, #tpu.memory_space<vmem>>, vector<1x1x128xf32>
    %get3A_480 = vector.shape_cast %get3A_479 : vector<1x1x128xf32> to vector<128xf32>
    %broadcast_in_dim3A_481 = vector.shape_cast %get3A_480 : vector<128xf32> to vector<1x128xf32>
    %mul3A_482 = vector.broadcast %broadcast_in_dim3A_481 : vector<1x128xf32> to vector<1000x128xf32>
    %mul3A_483 = arith.mulf %get3A_475, %mul3A_482 : vector<1000x128xf32>
    %add3A_484 = arith.addf %add3A_470, %mul3A_483 : vector<1000x128xf32>
    %get3A_485 = arith.constant 5 : index
    %get3A_486 = arith.constant 0 : index
    %get3A_487 = arith.constant 0 : index
    %get3A_488 = vector.load %arg2[%get3A_485, %get3A_486, %get3A_487] : memref<8x1000x128xf32, #tpu.memory_space<vmem>>, vector<1x1000x128xf32>
    %get3A_489 = vector.shape_cast %get3A_488 : vector<1x1000x128xf32> to vector<1000x128xf32>
    %get3A_490 = arith.constant 3 : index
    %get3A_491 = arith.constant 5 : index
    %get3A_492 = arith.constant 0 : index
    %get3A_493 = vector.load %arg1[%get3A_490, %get3A_491, %get3A_492] : memref<4x8x128xf32, #tpu.memory_space<vmem>>, vector<1x1x128xf32>
    %get3A_494 = vector.shape_cast %get3A_493 : vector<1x1x128xf32> to vector<128xf32>
    %broadcast_in_dim3A_495 = vector.shape_cast %get3A_494 : vector<128xf32> to vector<1x128xf32>
    %mul3A_496 = vector.broadcast %broadcast_in_dim3A_495 : vector<1x128xf32> to vector<1000x128xf32>
    %mul3A_497 = arith.mulf %get3A_489, %mul3A_496 : vector<1000x128xf32>
    %add3A_498 = arith.addf %add3A_484, %mul3A_497 : vector<1000x128xf32>
    %get3A_499 = arith.constant 6 : index
    %get3A_500 = arith.constant 0 : index
    %get3A_501 = arith.constant 0 : index
    %get3A_502 = vector.load %arg2[%get3A_499, %get3A_500, %get3A_501] : memref<8x1000x128xf32, #tpu.memory_space<vmem>>, vector<1x1000x128xf32>
    %get3A_503 = vector.shape_cast %get3A_502 : vector<1x1000x128xf32> to vector<1000x128xf32>
    %get3A_504 = arith.constant 3 : index
    %get3A_505 = arith.constant 6 : index
    %get3A_506 = arith.constant 0 : index
    %get3A_507 = vector.load %arg1[%get3A_504, %get3A_505, %get3A_506] : memref<4x8x128xf32, #tpu.memory_space<vmem>>, vector<1x1x128xf32>
    %get3A_508 = vector.shape_cast %get3A_507 : vector<1x1x128xf32> to vector<128xf32>
    %broadcast_in_dim3A_509 = vector.shape_cast %get3A_508 : vector<128xf32> to vector<1x128xf32>
    %mul3A_510 = vector.broadcast %broadcast_in_dim3A_509 : vector<1x128xf32> to vector<1000x128xf32>
    %mul3A_511 = arith.mulf %get3A_503, %mul3A_510 : vector<1000x128xf32>
    %add3A_512 = arith.addf %add3A_498, %mul3A_511 : vector<1000x128xf32>
    %get3A_513 = arith.constant 7 : index
    %get3A_514 = arith.constant 0 : index
    %get3A_515 = arith.constant 0 : index
    %get3A_516 = vector.load %arg2[%get3A_513, %get3A_514, %get3A_515] : memref<8x1000x128xf32, #tpu.memory_space<vmem>>, vector<1x1000x128xf32>
    %get3A_517 = vector.shape_cast %get3A_516 : vector<1x1000x128xf32> to vector<1000x128xf32>
    %get3A_518 = arith.constant 3 : index
    %get3A_519 = arith.constant 7 : index
    %get3A_520 = arith.constant 0 : index
    %get3A_521 = vector.load %arg1[%get3A_518, %get3A_519, %get3A_520] : memref<4x8x128xf32, #tpu.memory_space<vmem>>, vector<1x1x128xf32>
    %get3A_522 = vector.shape_cast %get3A_521 : vector<1x1x128xf32> to vector<128xf32>
    %broadcast_in_dim3A_523 = vector.shape_cast %get3A_522 : vector<128xf32> to vector<1x128xf32>
    %mul3A_524 = vector.broadcast %broadcast_in_dim3A_523 : vector<1x128xf32> to vector<1000x128xf32>
    %mul3A_525 = arith.mulf %get3A_517, %mul3A_524 : vector<1000x128xf32>
    %add3A_526 = arith.addf %add3A_512, %mul3A_525 : vector<1000x128xf32>
    %slice3A_527 = vector.extract_strided_slice %add3A_526 {offsets = [0, 0], sizes = [1000, 64], strides = [1, 1]} : vector<1000x128xf32> to vector<1000x64xf32>
    %bitcast_convert_type3A_528 = tpu.bitcast %slice3A_527 : vector<1000x64xf32> -> vector<1000x64xi32>
    %add3A_529 = arith.constant 32767 : i32
    %add3A_530 = vector.broadcast %add3A_529 : i32 to vector<1000x64xi32>
    %add3A_531 = arith.addi %bitcast_convert_type3A_528, %add3A_530 : vector<1000x64xi32>
    %shift_right_arithmetic3A_532 = arith.constant 16 : i32
    %shift_right_arithmetic3A_533 = vector.broadcast %shift_right_arithmetic3A_532 : i32 to vector<1000x64xi32>
    %shift_right_arithmetic3A_534 = arith.shrsi %bitcast_convert_type3A_528, %shift_right_arithmetic3A_533 : vector<1000x64xi32>
    %and3A_535 = arith.constant 1 : i32
    %and3A_536 = vector.broadcast %and3A_535 : i32 to vector<1000x64xi32>
    %and3A_537 = arith.andi %shift_right_arithmetic3A_534, %and3A_536 : vector<1000x64xi32>
    %add3A_538 = arith.addi %add3A_531, %and3A_537 : vector<1000x64xi32>
    %shift_right_logical3A_539 = arith.constant 16 : i32
    %shift_right_logical3A_540 = vector.broadcast %shift_right_logical3A_539 : i32 to vector<1000x64xi32>
    %shift_right_logical3A_541 = arith.shrui %add3A_538, %shift_right_logical3A_540 : vector<1000x64xi32>
    %slice3A_542 = vector.extract_strided_slice %add3A_526 {offsets = [0, 64], sizes = [1000, 64], strides = [1, 1]} : vector<1000x128xf32> to vector<1000x64xf32>
    %bitcast_convert_type3A_543 = tpu.bitcast %slice3A_542 : vector<1000x64xf32> -> vector<1000x64xi32>
    %add3A_544 = arith.constant 32767 : i32
    %add3A_545 = vector.broadcast %add3A_544 : i32 to vector<1000x64xi32>
    %add3A_546 = arith.addi %bitcast_convert_type3A_543, %add3A_545 : vector<1000x64xi32>
    %shift_right_arithmetic3A_547 = arith.constant 16 : i32
    %shift_right_arithmetic3A_548 = vector.broadcast %shift_right_arithmetic3A_547 : i32 to vector<1000x64xi32>
    %shift_right_arithmetic3A_549 = arith.shrsi %bitcast_convert_type3A_543, %shift_right_arithmetic3A_548 : vector<1000x64xi32>
    %and3A_550 = arith.constant 1 : i32
    %and3A_551 = vector.broadcast %and3A_550 : i32 to vector<1000x64xi32>
    %and3A_552 = arith.andi %shift_right_arithmetic3A_549, %and3A_551 : vector<1000x64xi32>
    %add3A_553 = arith.addi %add3A_546, %and3A_552 : vector<1000x64xi32>
    %and3A_554 = arith.constant -65536 : i32
    %and3A_555 = vector.broadcast %and3A_554 : i32 to vector<1000x64xi32>
    %and3A_556 = arith.andi %add3A_553, %and3A_555 : vector<1000x64xi32>
    %or3A_557 = arith.ori %shift_right_logical3A_541, %and3A_556 : vector<1000x64xi32>
    %concatenate3A = tpu.concatenate %or3A, %or3A_273 in 1 : vector<1000x64xi32>, vector<1000x64xi32> -> vector<1000x128xi32>
    %concatenate3A_558 = tpu.concatenate %or3A_415, %or3A_557 in 1 : vector<1000x64xi32>, vector<1000x64xi32> -> vector<1000x128xi32>
    %concatenate3A_559 = tpu.concatenate %concatenate3A, %concatenate3A_558 in 0 : vector<1000x128xi32>, vector<1000x128xi32> -> vector<2000x128xi32>
    %swap3A = arith.constant 0 : index
    %swap3A_560 = arith.constant 0 : index
    %swap3A_561 = vector.load %arg3[%swap3A, %swap3A_560] : memref<2000x128xi32, #tpu.memory_space<vmem>>, vector<2000x128xi32>
    tpu.vector_store %arg3[%swap3A, %swap3A_560], %concatenate3A_559 {strides = array<i32>} : memref<2000x128xi32, #tpu.memory_space<vmem>>, vector<2000x128xi32>,
    return
  }
  func.func @transform_0(%arg0: i32) -> (i32, i32, i32) {
    %c0_i32 = arith.constant 0 : i32
    %c0_i32_0 = arith.constant 0 : i32
    %c0_i32_1 = arith.constant 0 : i32
    return %arg0, %c0_i32, %c0_i32_0 : i32, i32, i32
  }
  func.func @transform_1(%arg0: i32) -> (i32, i32, i32) {
    %c0_i32 = arith.constant 0 : i32
    %c0_i32_0 = arith.constant 0 : i32
    %c0_i32_1 = arith.constant 0 : i32
    %c0_i32_2 = arith.constant 0 : i32
    return %c0_i32, %c0_i32_0, %c0_i32_1 : i32, i32, i32
  }
  func.func @transform_2(%arg0: i32) -> (i32, i32) {
    %c0_i32 = arith.constant 0 : i32
    %c0_i32_0 = arith.constant 0 : i32
    return %arg0, %c0_i32 : i32, i32
  }
}

</mosaic_0001>

<sc_bundles>
// kernel: kernel.5.cloned.1.call-start
scs
__scs_entry_jumppad:
0x0: {  	(pc) =	sbr.rel $0x88, $3  }
0x1: {  	(tag) =	ssettag $0x0;
	lr =	simm.s32 $0x1  }
0x2: {  	[smem:$0x3F9C] =	sst lr;
	_ =	strace $0xD0000000  }
0x3: {  	_ = 	snop  }
0x4: {  	_ = 	snop  }
0x5: {  	_ = 	snop  }
0x6: {  	_ = 	snop  }
0x7: {  	_ = 	snop  }
__scs_overlays_trampoline_lowered:
0x8: {  	[smem:$0x3FAB] =	sst s0  }
0x9: {  	[smem:$0x3FAC] =	sst s1  }
0xa: {  	[smem:$0x3FAD] =	sst s2  }
0xb: {  	[smem:$0x3FAE] =	sst s3  }
0xc: {  	[smem:$0x3FAF] =	sst s4  }
0xd: {  	[smem:$0x3FB0] =	sst s5  }
0xe: {  	[smem:$0x3FB1] =	sst s6  }
0xf: {  	[smem:$0x3FB2] =	sst s7  }
0x10: {  	[smem:$0x3FB3] =	sst s8  }
0x11: {  	[smem:$0x3FB4] =	sst s9;
	s0 =	simm.s32 @!p0 $0x0  }
0x12: {  	s1 =	sld [smem:$0x3F9A];
	s0 =	simm.s32 @p0 $0x1  }
0x13: {  	[smem:$0x3FB5] =	sst s0;
	s0 =	simm.s32 @!p1 $0x0  }
0x14: {  	s2 =	sld [smem:$0x3F99];
	s0 =	simm.s32 @p1 $0x1  }
0x15: {  	[smem:$0x3FB6] =	sst s0;
	s0 =	simm.s32 @!p2 $0x0  }
0x16: {  	s3 =	sld [smem:$0x3FDB];
	s0 =	simm.s32 @p2 $0x1  }
0x17: {  	s4 =	simm.s32 $0x1BF5;
	[smem:$0x3FB8] =	sst s0  }
0x18: {  	s0 =	sld [smem:$0x3F9B];
	_ =	swait.ge [sflag:s4], $0x0  }
0x19: {  	s7 =	sld [smem:$0x3F9C]  }
0x1a: {  	s8 =	sadd.s32 $0xFFFFE003, lr  }
0x1b: {  	s9 =	sadd.s32 $0xFFFFFEF7, lr;
	s5 =	simm.s32 $0xFFFFFFFF;
	p2 =	slt.u32 s8, $0xFFFFF086  }
0x1c: {  	p1 =	slt.u32 s9, $0xF7A;
	s5 =	simm.s32 @!p2 $0x0  }
0x1d: {  	s5 =	simm.s32 @p1 $0x1;
	p0 =	seq.s32 s7, s2  }
0x1e: {  	s7 =	smul.u32 @!p0 $0xF7A, s2;
	p2 =	seq.s32 @!p0 s5, $0x0  }
0x1f: {  	s9 =	smul.u32 $0xF7A, s1;
	s8 =	simm.s32 @!p0 $0x1BF5;
	p2 =	por !p2, p0  }
0x20: {  	[sflag:s8] =	ssyncset.s32 @!p0 $0xFFFFF086;
	s6 =	sadd.s32 @!p0 s3, s7;
	s7 =	simm.s32 @!p0 $0x108  }
0x21: {  	s3 =	sadd.s32 s3, s9;
	s6 =	sadd.s32 @!p0 $0x88, s6;
	s7 =	simm.s32 @p2 $0x1082  }
0x22: {  	[simem:s7], [sflag:s8] =	dma.local @!p0 [hbm:s6], $0xF7A  }
0x23: {  	s9 =	sor.u32 $0xD0000000, s2;
	s6 =	simm.s32 $0x108;
	_ =	swait.ge @!p0 [sflag:s8], $0x0  }
0x24: {  	s3 =	sadd.s32 $0x88, s3;
	s6 =	simm.s32 @!p1 $0x1082;
	[sflag:s4] =	ssyncset.s32 $0xFFFFF086  }
0x25: {  	[simem:s6], [sflag:s4] =	dma.local [hbm:s3], $0xF7A  }
0x26: {  	[smem:$0x3F9C] =	sst s1;
	(tag) =	ssettag s2;
	_ =	strace s9  }
0x27: {  	s1 =	sld [smem:$0x3FAC]  }
0x28: {  	s2 =	sld [smem:$0x3FAD]  }
0x29: {  	s4 =	sld [smem:$0x3FAF]  }
0x2a: {  	p0 =	seq.s32 s5, $0x0;
	s5 =	sld [smem:$0x3FB0]  }
0x2b: {  	s6 =	sld [smem:$0x3FB1]  }
0x2c: {  	s7 =	sld [smem:$0x3FB2]  }
0x2d: {  	s3 =	simm.s32 $0x108;
	s8 =	sld [smem:$0x3FB3]  }
0x2e: {  	s3 =	simm.s32 @!p0 $0x1082;
	s9 =	sld [smem:$0x3FB4]  }
0x2f: {  	lr =	sadd.s32 s0, s3;
	s0 =	sld [smem:$0x3FAB]  }
0x30: {  	s3 =	sld [smem:$0x3FAE]  }
0x31: {  	[smem:$0x3FB7] =	sst s10  }
0x32: {  	s10 =	sld [smem:$0x3FB5];
	_ =	sdelay $0x3  }
0x33: {  	p0 =	seq.s32 s10, $0x1;
	s10 =	sld [smem:$0x3FB7];
	_ =	sdelay $0x3  }
0x34: {  	[smem:$0x3FB7] =	sst s10  }
0x35: {  	s10 =	sld [smem:$0x3FB6];
	_ =	sdelay $0x3  }
0x36: {  	p1 =	seq.s32 s10, $0x1;
	s10 =	sld [smem:$0x3FB7];
	_ =	sdelay $0x3  }
0x37: {  	[smem:$0x3FB7] =	sst s10  }
0x38: {  	s10 =	sld [smem:$0x3FB8]  }
0x39: {  	_ = 	snop;
	(pc) =	sbr.ind lr, $3  }
0x3a: {  	_ = 	snop  }
0x3b: {  	_ = 	snop  }
0x3c: {  	p2 =	seq.s32 s10, $0x1;
	s10 =	sld [smem:$0x3FB7]  }
0x3d: {  	_ =	shalt  }
0x3e: {  	_ =	shalt  }
0x3f: {  	_ =	shalt  }
0x40: {  	_ =	shalt  }
0x41: {  	_ =	shalt  }
0x42: {  	_ =	shalt  }
0x43: {  	_ =	shalt  }
0x44: {  	_ =	shalt  }
0x45: {  	_ =	shalt  }
0x46: {  	_ =	shalt  }
0x47: {  	_ =	shalt  }
0x48: {  	_ =	shalt  }
0x49: {  	_ =	shalt  }
0x4a: {  	_ =	shalt  }
0x4b: {  	_ =	shalt  }
0x4c: {  	_ =	shalt  }
0x4d: {  	_ =	shalt  }
0x4e: {  	_ =	shalt  }
0x4f: {  	_ =	shalt  }
0x50: {  	_ =	shalt  }
0x51: {  	_ =	shalt  }
0x52: {  	_ =	shalt  }
0x53: {  	_ =	shalt  }
0x54: {  	_ =	shalt  }
0x55: {  	_ =	shalt  }
0x56: {  	_ =	shalt  }
0x57: {  	_ =	shalt  }
0x58: {  	_ =	shalt  }
0x59: {  	_ =	shalt  }
0x5a: {  	_ =	shalt  }
0x5b: {  	_ =	shalt  }
0x5c: {  	_ =	shalt  }
0x5d: {  	_ =	shalt  }
0x5e: {  	_ =	shalt  }
0x5f: {  	_ =	shalt  }
0x60: {  	_ =	shalt  }
0x61: {  	_ =	shalt  }
0x62: {  	_ =	shalt  }
0x63: {  	_ =	shalt  }
0x64: {  	_ =	shalt  }
0x65: {  	_ =	shalt  }
0x66: {  	_ =	shalt  }
0x67: {  	_ =	shalt  }
0x68: {  	_ =	shalt  }
0x69: {  	_ =	shalt  }
0x6a: {  	_ =	shalt  }
0x6b: {  	_ =	shalt  }
0x6c: {  	_ =	shalt  }
0x6d: {  	_ =	shalt  }
0x6e: {  	_ =	shalt  }
0x6f: {  	_ =	shalt  }
0x70: {  	_ =	shalt  }
0x71: {  	_ =	shalt  }
0x72: {  	_ =	shalt  }
0x73: {  	_ =	shalt  }
0x74: {  	_ =	shalt  }
0x75: {  	_ =	shalt  }
0x76: {  	_ =	shalt  }
0x77: {  	_ =	shalt  }
0x78: {  	_ =	shalt  }
0x79: {  	_ =	shalt  }
0x7a: {  	_ =	shalt  }
0x7b: {  	_ =	shalt  }
0x7c: {  	_ =	shalt  }
0x7d: {  	_ =	shalt  }
0x7e: {  	_ =	shalt  }
0x7f: {  	_ =	shalt  }
0x80: {  	_ =	shalt  }
0x81: {  	_ =	shalt  }
0x82: {  	_ =	shalt  }
0x83: {  	_ =	shalt  }
0x84: {  	_ =	shalt  }
0x85: {  	_ =	shalt  }
0x86: {  	_ =	shalt  }
0x87: {  	_ =	shalt  }
.Lfunc_end0:
.L_simem_size_0:
called_computation.1_lowered:
.L_overlay_start_0:
0x88: {  	s2 =	sld [smem:$0x3FD9]  }
0x89: {  	s3 =	sld [smem:$0x3FFE];
	_ =	sdelay $0x1  }
0x8a: {  	s1 =	srdreg.scid  }
0x8b: {  	s0 =	sand.u32 $0x1, s1  }
0x8c: {  	s17 =	sshll.u32 s0, $0xA;
	s2 =	sadd.s32 s3, s2  }
0x8d: {  	s2 =	sadd.s32 s2, s17  }
0x8e: {  	[smem:$0x3FC3] =	sst s2  }
0x8f: {  	_ = 	snop  }
0x90: {  	s2 =	sld [smem:$0x3FD0];
	(tm) =	ssettm $0x1  }
0x91: {  	s18 =	sld [smem:$0x3FFB];
	_ =	sdelay $0x3  }
0x92: {  	_ =	strace s18  }
0x93: {  	s3 =	sld [smem:$0x3FFC];
	_ =	sdelay $0x3  }
0x94: {  	_ =	strace s3  }
0x95: {  	s3 =	sld [smem:$0x3FFD];
	_ =	sdelay $0x3  }
0x96: {  	_ =	strace s3  }
0x97: {  	_ =	strace $0x8FFFFFFF  }
0x98: {  	s19 =	sld [smem:$0x3FDB];
	_ =	sdelay $0x1  }
0x99: {  	s4 =	simm.s32 $_scs_section_size  }
0x9a: {  	s5 =	simm.s32 $_size__tile_overlayer_lowered;
	s6 =	simm.s32 $_tile_overlayer_lowered  }
0x9b: {  	s22 =	simm.s32 $0x1BFF;
	s21 =	sshll.u32 s6, $0x1;
	s3 =	sadd.s32 s4, s19  }
0x9c: {  	s7 =	simm.s32 $0x0;
	s20 =	sshll.u32 s5, $0x1;
	s5 =	sadd.s32 s21, s3  }
0x9d: {  	[timem:s7], [sflag:s22] =	dma.local [hbm:s5], s20  }
0x9e: {  	_ =	swait.ge [sflag:s22], s20  }
0x9f: {  	s4 =	ssub.s32 $0x0, s20;
	[sflag:s22] =	ssyncset.done $0x0  }
0xa0: {  	[sflag:s22] =	ssyncadd.s32 s4;
	_ =	sdelay $0x1  }
0xa1: {  	s23 =	simm.s32 $0x1B8B  }
0xa2: {  	_ =	swait.ge [sflag:s23], $0x1  }
0xa3: {  	[sflag:s23] =	ssyncset.done $0x0  }
0xa4: {  	s25 =	simm.s32 $0x1B8E;
	s24 =	sld [smem:$0x3FFE];
	[sflag:s23] =	ssyncadd.s32 $0xFFFFFFFF  }
0xa5: {  	s26 =	simm.s32 $execute0_lowered;
	[smem:$0x3FD2] =	sst s25  }
0xa6: {  	s5 =	sshll.u32 s26, $0x1;
	_ =	strace $0x80000046;
	[dreg:$0x1] =	wrdreg $0xFFFFFFFF  }
0xa7: {  	s28 =	simm.s32 $_size_execute0_lowered;
	s3 =	sadd.s32 s3, s5;
	[dreg:$0x0] =	wrdreg $0x0  }
0xa8: {  	s5 =	sshll.u32 s28, $0x1;
	[dreg:$0x2] =	wrdreg s3  }
0xa9: {  	[dreg:$0x3] =	wrdreg s5  }
0xaa: {  	[dreg:$0x4] =	wrdreg $0xC0  }
0xab: {  	_ =	task [dreg:s7], $0x5FFFF  }
0xac: {  	[dreg:$0x1] =	wrdreg $0xFFFFFFFF  }
0xad: {  	[dreg:$0x0] =	wrdreg $0x60  }
0xae: {  	[dreg:$0x2] =	wrdreg s2  }
0xaf: {  	[dreg:$0x3] =	wrdreg s24  }
0xb0: {  	[dreg:$0x4] =	wrdreg $0x9  }
0xb1: {  	_ =	task.clear_ibuf [dreg:s7], $0x5FFFF;
	_ =	strace $0x90000046  }
0xb2: {  	s29 =	simm.s32 $0x9;
	_ =	strace $0x80000048  }
0xb3: {  	_ =	swait.ge [sflag:s29], $0x1  }
0xb4: {  	[sflag:s29] =	ssyncadd.s32 $0xFFFFFFFF  }
0xb5: {  	_ =	strace $0x90000048  }
0xb6: {  	_ =	sfence  }
0xb7: {  	s30 =	sld [smem:$0x0];
	_ =	sdelay $0x2  }
0xb8: {  	s31 =	sshll.u32 s1, $0xD;
	s1 =	sshrl.u32 s1, $0x2  }
0xb9: {  	s3 =	sand.u32 $0x4000, s31;
	s1 =	sadd.s32 s1, s30  }
0xba: {  	s0 =	sor.u32 s3, s0;
	s1 =	sshll.u32 s1, $0x11  }
0xbb: {  	s0 =	sor.u32 s1, s0  }
0xbc: {  	s0 =	sadd.s32 $0x8F2B, s0  }
0xbd: {  	[sflag:s0] =	ssyncadd.remote.s32 $0x1  }
0xbe: {  	_ =	sfence.sel $0xFFFF  }
0xbf: {  	[dreg:$0x0] =	wrdreg $0xFFFFFFFF;
	(pc) =	sbr.abs _section_cstart, $3  }
0xc0: {  	[dreg:$0x1] =	wrdreg $0xFFFFFFFF  }
0xc1: {  	_ =	task.clear_ibuf [dreg:s7], $0x2FFFF;
	_ =	strace $0x9FFFFFFF  }
0xc2: {  	(tm) =	ssettm $0x7FFFFFFF  }
0xc3: {  	_ =	shalt  }
tec
execute0_lowered:
.L_overlay_start_1:
0x0: {  	(tag) =	ssettag $0x1  }
0x1: {  	s4 =	rddreg [dreg:$0x0]  }
0x2: {  	s5 =	rddreg [dreg:$0x1]  }
0x3: {  	s0 =	rddreg [dreg:$0x2];
	s2 =	simm.s32 $0x0  }
0x4: {  	s1 =	stileid.u32;
	s3 =	srdreg.scid;
	s11 =	simm.s32 $0xAC00  }
0x5: {  	s12 =	simm.s32 $0x1;
	s13 =	simm.s32 $0x7500;
	s14 =	simm.s32 $0x8200  }
0x6: {  	s15 =	simm.s32 $0x8F00;
	s16 =	simm.s32 $0x2;
	s17 =	simm.s32 $0xB900  }
0x7: {  	s18 =	simm.s32 $0xC600;
	s19 =	simm.s32 $0xD300;
	s20 =	simm.s32 $0x0  }
0x8: {  	[smem:$0x7FF] =	sst s2;
	s6 =	sand.u32 $0x1, s3;
	s7 =	sshll.u32 s1, $0x1  }
0x9: {  	s3 =	sadd.s32 $0x1000, s5;
	s9 =	sshll.u32 s1, $0x13;
	_ =	strace $0x80000047  }
0xa: {  	s8 =	ssub.s32 $0x2, s6;
	s7 =	sor.u32 s6, s7;
	s9 =	sadd.s32 s9, s5  }
0xb: {  	s6 =	sshll.u32 s6, $0x12;
	s10 =	sshrl.u32 s8, $0x1;
	s7 =	smul.u32 $0x680, s7  }
0xc: {  	s6 =	sadd.s32 s6, s9;
	s9 =	simm.s32 $0x3400;
	s31 =	ssub.s32 s8, s10  }
0xd: {  	s6 =	sadd.s32 $0x3D1A00, s6;
	s8 =	simm.s32 $0x68;
	s10 =	simm.s32 $0x6800  }
0xe: {  	v0 =	vimm.s32 $0x0;
	s4 =	sadd.s32 s4, s7;
	s5 =	smax.u32 s31, $0x1;
	s7 =	simm.s32 $0x3  }
.LBB2_1:
0xf: {  	[tilespmem:s2], [sflag:$0x3] =	stream.linear.gather [hbm4b:s4+s2], $0x3400, $0x38;
	[tilespmem:$0xF000] =	vst v63  }
0x10: {  	_ =	swait.ge [sflag:s7], $0x3400  }
0x11: {  	[sflag:s7] =	ssyncset.done $0x0  }
0x12: {  	s22 =	simm.s32 $0x0;
	[sflag:s7] =	ssyncadd.s32 $0xFFFFCC00  }
0x13: {  	v3 =	vld [tilespmem:s22+$0x0];
	_ =	sdelay $0x4  }
0x14: {  	v1 =	vcvt.s32.f32 v3  }
0x15: {  	s21 =	simm.s32 $0x10  }
0x16: {  	v2 =	vld [tilespmem:s21+$0x0];
	v1 =	vmul.f32 $1.000000050e-03, v1;
	_ =	sdelay $0x1  }
0x17: {  	v1 =	vtrunc.f32 v1  }
0x18: {  	v5 =	vcvt.f32.s32 v1;
	_ =	sdelay $0x1  }
0x19: {  	v4 =	vcvt.s32.f32 v2;
	v6 =	vmul.u32 $0xFFFFFC18, v5  }
0x1a: {  	s23 =	simm.s32 $0x20  }
0x1b: {  	v4 =	vmul.f32 $1.000000050e-03, v4;
	v1 =	vld [tilespmem:s23+$0x0];
	v3 =	vadd.s32 v3, v6  }
0x1c: {  	vm0 =	vgt.s32 v3, $0x3E7;
	v6 =	vadd.s32 $0xFFFFFC18, v3  }
0x1d: {  	v7 =	vtrunc.f32 v4;
	v8 =	vsel vm0, $0x1, v0;
	v4 =	vsel vm0, v6, v3  }
0x1e: {  	v3 =	vcvt.f32.s32 v7;
	v5 =	vadd.s32 v5, v8;
	v6 =	vshra.s32 v4, $0x1F  }
0x1f: {  	v5 =	vadd.s32 v6, v5  }
0x20: {  	v6 =	vcvt.s32.f32 v1;
	v7 =	vmul.u32 $0xFFFFFC18, v3;
	v5 =	vshrl.u32 v5, $0x2  }
0x21: {  	s24 =	simm.s32 $0x30;
	s25 =	simm.s32 $0x100;
	vm0 =	vlt.s32 v4, $0x0;
	v8 =	vadd.s32 $0x3E8, v4;
	v5 =	vmul.u32 $0x3E8, v5  }
.LBB2_2:
0x22: {  	p0 =	sne.s32 s25, $0xCFC0;
	v6 =	vmul.f32 $1.000000050e-03, v6;
	v7 =	vadd.s32 v2, v7;
	v4 =	vsel vm0, v8, v4;
	v2 =	vmovc v1;
	v1 =	vld [tilespmem:s24+$0x0]  }
0x23: {  	vm0 =	vgt.s32 v7, $0x3E7;
	v8 =	vadd.s32 $0xFFFFFC18, v7;
	v5 =	vadd.s32 v4, v5  }
.Ltmp0:
0x24: {  	v6 =	vtrunc.f32 v6;
	v9 =	vsel vm0, $0x1, v0;
	v4 =	vsel vm0, v8, v7;
	[tilespmem:s22+$0x3400] =	vst v5;
	s22 =	smov.u32 s21;
	s21 =	smov.u32 s23;
	(pc) =	sbr.rel @p0 .LBB2_2-.Ltmp0, $4  }
0x25: {  	s23 =	smov.u32 s24;
	v5 =	vadd.s32 v3, v9;
	v3 =	vcvt.f32.s32 v6;
	v6 =	vshra.s32 v4, $0x1F  }
0x26: {  	v5 =	vadd.s32 v6, v5  }
0x27: {  	v6 =	vcvt.s32.f32 v1;
	v7 =	vmul.u32 $0xFFFFFC18, v3;
	v5 =	vshrl.u32 v5, $0x2  }
0x28: {  	s24 =	sshra.s32 s25, $0x2;
	s25 =	sadd.s32 $0x40, s25;
	vm0 =	vlt.s32 v4, $0x0;
	v8 =	vadd.s32 $0x3E8, v4;
	v5 =	vmul.u32 $0x3E8, v5  }
0x29: {  	v9 =	vld [tilespmem:s24+$0x0];
	_ =	sdelay $0x3  }
0x2a: {  	v6 =	vmul.f32 $1.000000050e-03, v6;
	v2 =	vadd.s32 v2, v7  }
0x2b: {  	vm1 =	vgt.s32 v2, $0x3E7;
	v7 =	vadd.s32 $0xFFFFFC18, v2;
	v10 =	vcvt.s32.f32 v9  }
0x2c: {  	v4 =	vsel vm0, v8, v4;
	v6 =	vtrunc.f32 v6;
	v2 =	vsel vm1, v7, v2  }
0x2d: {  	v50 =	vsel vm1, $0x1, v0;
	v6 =	vcvt.f32.s32 v6;
	v51 =	vmul.f32 $1.000000050e-03, v10  }
0x2e: {  	v4 =	vadd.s32 v4, v5;
	v3 =	vadd.s32 v3, v50;
	v52 =	vshra.s32 v2, $0x1F  }
0x2f: {  	v3 =	vadd.s32 v52, v3;
	v53 =	vmul.u32 $0xFFFFFC18, v6;
	v54 =	vtrunc.f32 v51  }
0x30: {  	vm11 =	vlt.s32 v2, $0x0;
	v3 =	vshrl.u32 v3, $0x2;
	v7 =	vcvt.f32.s32 v54  }
0x31: {  	v55 =	vadd.s32 $0x3E8, v2;
	v3 =	vmul.u32 $0x3E8, v3;
	v1 =	vadd.s32 v1, v53  }
0x32: {  	v2 =	vsel vm11, v55, v2;
	vm12 =	vgt.s32 v1, $0x3E7;
	v56 =	vmul.u32 $0xFFFFFC18, v7  }
0x33: {  	v57 =	vadd.s32 $0xFFFFFC18, v1;
	v2 =	vadd.s32 v2, v3;
	v3 =	vsel vm12, $0x1, v0  }
0x34: {  	v1 =	vsel vm12, v57, v1;
	v3 =	vadd.s32 v6, v3;
	v5 =	vadd.s32 v9, v56  }
0x35: {  	v58 =	vshra.s32 v1, $0x1F;
	vm13 =	vgt.s32 v5, $0x3E7;
	v59 =	vadd.s32 $0xFFFFFC18, v5  }
0x36: {  	vm14 =	vlt.s32 v1, $0x0;
	v60 =	vsel vm13, $0x1, v0;
	v5 =	vsel vm13, v59, v5  }
0x37: {  	v3 =	vadd.s32 v58, v3;
	v6 =	vadd.s32 v7, v60;
	v61 =	vshra.s32 v5, $0x1F  }
0x38: {  	v62 =	vadd.s32 $0x3E8, v1;
	v3 =	vshrl.u32 v3, $0x2;
	v6 =	vadd.s32 v61, v6  }
0x39: {  	v1 =	vsel vm14, v62, v1;
	v3 =	vmul.u32 $0x3E8, v3;
	v6 =	vshrl.u32 v6, $0x2  }
0x3a: {  	[tilespmem:s22+$0x3400] =	vst v4;
	vm15 =	vlt.s32 v5, $0x0;
	v63 =	vadd.s32 $0x3E8, v5;
	v6 =	vmul.u32 $0x3E8, v6  }
0x3b: {  	[tilespmem:s21+$0x3400] =	vst v2;
	v1 =	vadd.s32 v1, v3;
	v2 =	vsel vm15, v63, v5  }
0x3c: {  	[tilespmem:s23+$0x3400] =	vst v1;
	v1 =	vadd.s32 v2, v6  }
0x3d: {  	[tilespmem:s24+$0x3400] =	vst v1  }
0x3e: {  	[tilespmem:s10], [sflag:$0x1] =	stream.indirect.gather [hbm4b:s3+s8], $0x80, s9, s8, $0xb8;
	[tilespmem:$0xF000] =	vst v63  }
0x3f: {  	s24 =	simm.s32 $0x3468  }
0x40: {  	[tilespmem:s11], [sflag:$0x2] =	stream.indirect.gather [hbm4b:s3+s8], $0x80, s24, s8, $0xb8;
	[tilespmem:$0xF000] =	vst v63  }
0x41: {  	_ =	swait.ge [sflag:s12], $0x3400  }
0x42: {  	[sflag:s12] =	ssyncset.done $0x0  }
0x43: {  	s21 =	sadd.s32 $0x0, s6;
	[sflag:s12] =	ssyncadd.s32 $0xFFFFCC00  }
0x44: {  	[hbm4b:s21+s2] =	stream.linear.scatter [tilespmem:s10], [sflag:$0x3], $0x1000, $0x38;
	[tilespmem:$0xF000] =	vst v63  }
0x45: {  	_ =	swait.ge [sflag:s7], $0x1000  }
0x46: {  	[sflag:s7] =	ssyncset.done $0x0  }
0x47: {  	s25 =	sadd.s32 $0x200, s21;
	[sflag:s7] =	ssyncadd.s32 $0xFFFFF000  }
0x48: {  	[hbm4b:s25+s2] =	stream.linear.scatter [tilespmem:s13], [sflag:$0x3], $0x1000, $0x38;
	[tilespmem:$0xF000] =	vst v63  }
0x49: {  	_ =	swait.ge [sflag:s7], $0x1000  }
0x4a: {  	[sflag:s7] =	ssyncset.done $0x0  }
0x4b: {  	s26 =	sadd.s32 $0x400, s21;
	[sflag:s7] =	ssyncadd.s32 $0xFFFFF000  }
0x4c: {  	[hbm4b:s26+s2] =	stream.linear.scatter [tilespmem:s14], [sflag:$0x3], $0x1000, $0x38;
	[tilespmem:$0xF000] =	vst v63  }
0x4d: {  	_ =	swait.ge [sflag:s7], $0x1000  }
0x4e: {  	[sflag:s7] =	ssyncset.done $0x0  }
0x4f: {  	s28 =	sadd.s32 $0x600, s21;
	[sflag:s7] =	ssyncadd.s32 $0xFFFFF000  }
0x50: {  	[hbm4b:s28+s2] =	stream.linear.scatter [tilespmem:s15], [sflag:$0x3], $0x1000, $0x38;
	[tilespmem:$0xF000] =	vst v63  }
0x51: {  	_ =	swait.ge [sflag:s7], $0x1000  }
0x52: {  	p0 =	por $0x0, $0x0;
	s22 =	simm.s32 $0x34D0;
	[sflag:s7] =	ssyncset.done $0x0  }
0x53: {  	s23 =	simm.s32 @!p0 $0x68;
	s24 =	simm.s32 @!p0 $0x6800;
	[sflag:s7] =	ssyncadd.s32 $0xFFFFF000  }
0x54: {  	[tilespmem:s24], [sflag:$0x1] =	stream.indirect.gather @!p0 [hbm4b:s3+s23], $0x80, s22, s23, $0xb8;
	[tilespmem:$0xF000] =	vst v63  }
0x55: {  	_ =	swait.ge [sflag:s16], $0x3400  }
0x56: {  	[sflag:s16] =	ssyncset.done $0x0  }
0x57: {  	s29 =	sadd.s32 $0x800, s21;
	[sflag:s16] =	ssyncadd.s32 $0xFFFFCC00  }
0x58: {  	[hbm4b:s29+s2] =	stream.linear.scatter [tilespmem:s11], [sflag:$0x3], $0x1000, $0x38;
	[tilespmem:$0xF000] =	vst v63  }
0x59: {  	_ =	swait.ge [sflag:s7], $0x1000  }
0x5a: {  	[sflag:s7] =	ssyncset.done $0x0  }
0x5b: {  	s30 =	sadd.s32 $0xA00, s21;
	[sflag:s7] =	ssyncadd.s32 $0xFFFFF000  }
0x5c: {  	[hbm4b:s30+s2] =	stream.linear.scatter [tilespmem:s17], [sflag:$0x3], $0x1000, $0x38;
	[tilespmem:$0xF000] =	vst v63  }
0x5d: {  	_ =	swait.ge [sflag:s7], $0x1000  }
0x5e: {  	[sflag:s7] =	ssyncset.done $0x0  }
0x5f: {  	s31 =	sadd.s32 $0xC00, s21;
	[sflag:s7] =	ssyncadd.s32 $0xFFFFF000  }
0x60: {  	[hbm4b:s31+s2] =	stream.linear.scatter [tilespmem:s18], [sflag:$0x3], $0x1000, $0x38;
	[tilespmem:$0xF000] =	vst v63  }
0x61: {  	_ =	swait.ge [sflag:s7], $0x1000  }
0x62: {  	[sflag:s7] =	ssyncset.done $0x0  }
0x63: {  	s21 =	sadd.s32 $0xE00, s21;
	[sflag:s7] =	ssyncadd.s32 $0xFFFFF000  }
0x64: {  	[hbm4b:s21+s2] =	stream.linear.scatter [tilespmem:s19], [sflag:$0x3], $0x1000, $0x38;
	[tilespmem:$0xF000] =	vst v63  }
0x65: {  	s22 =	simm.s32 $0x1000;
	_ =	swait.ge [sflag:s7], $0x1000  }
0x66: {  	s23 =	simm.s32 $0x2000;
	s21 =	simm.s32 $0x35A0;
	[sflag:s7] =	ssyncset.done $0x0  }
.LBB2_4:
0x67: {  	s24 =	sadd.s32 $0xFFFFFF98, s21  }
0x68: {  	[sflag:s7] =	ssyncadd.s32 $0xFFFFF000;
	s25 =	smov.u32 s23;
	s23 =	sadd.s32 $0x1000, s23  }
0x69: {  	[tilespmem:s11], [sflag:$0x2] =	stream.indirect.gather [hbm4b:s3+s8], $0x80, s24, s8, $0xb8;
	[tilespmem:$0xF000] =	vst v63  }
0x6a: {  	p0 =	sne.s32 s23, $0x40000;
	_ =	swait.ge [sflag:s12], $0x3400  }
0x6b: {  	[sflag:s12] =	ssyncset.done $0x0  }
0x6c: {  	s24 =	sadd.s32 s22, s6;
	[sflag:s12] =	ssyncadd.s32 $0xFFFFCC00  }
0x6d: {  	[hbm4b:s24+s2] =	stream.linear.scatter [tilespmem:s10], [sflag:$0x3], $0x1000, $0x38;
	[tilespmem:$0xF000] =	vst v63  }
0x6e: {  	_ =	swait.ge [sflag:s7], $0x1000  }
0x6f: {  	[sflag:s7] =	ssyncset.done $0x0  }
0x70: {  	s26 =	sadd.s32 $0x200, s24;
	[sflag:s7] =	ssyncadd.s32 $0xFFFFF000  }
0x71: {  	[hbm4b:s26+s2] =	stream.linear.scatter [tilespmem:s13], [sflag:$0x3], $0x1000, $0x38;
	[tilespmem:$0xF000] =	vst v63  }
0x72: {  	_ =	swait.ge [sflag:s7], $0x1000  }
0x73: {  	[sflag:s7] =	ssyncset.done $0x0  }
0x74: {  	s26 =	sadd.s32 $0x400, s24;
	[sflag:s7] =	ssyncadd.s32 $0xFFFFF000  }
0x75: {  	[hbm4b:s26+s2] =	stream.linear.scatter [tilespmem:s14], [sflag:$0x3], $0x1000, $0x38;
	[tilespmem:$0xF000] =	vst v63  }
0x76: {  	_ =	swait.ge [sflag:s7], $0x1000  }
0x77: {  	[sflag:s7] =	ssyncset.done $0x0  }
0x78: {  	s26 =	sadd.s32 $0x600, s24;
	[sflag:s7] =	ssyncadd.s32 $0xFFFFF000  }
0x79: {  	[hbm4b:s26+s2] =	stream.linear.scatter [tilespmem:s15], [sflag:$0x3], $0x1000, $0x38;
	[tilespmem:$0xF000] =	vst v63  }
0x7a: {  	_ =	swait.ge [sflag:s7], $0x1000  }
0x7b: {  	p1 =	seq.s32 s22, $0x3F000;
	s22 =	smov.u32 s25;
	[sflag:s7] =	ssyncset.done $0x0  }
0x7c: {  	s25 =	simm.s32 @!p1 $0x68;
	s26 =	simm.s32 @!p1 $0x6800;
	[sflag:s7] =	ssyncadd.s32 $0xFFFFF000  }
0x7d: {  	[tilespmem:s26], [sflag:$0x1] =	stream.indirect.gather @!p1 [hbm4b:s3+s25], $0x80, s21, s25, $0xb8;
	[tilespmem:$0xF000] =	vst v63  }
0x7e: {  	_ =	swait.ge [sflag:s16], $0x3400  }
0x7f: {  	[sflag:s16] =	ssyncset.done $0x0  }
0x80: {  	s25 =	sadd.s32 $0x800, s24;
	[sflag:s16] =	ssyncadd.s32 $0xFFFFCC00  }
0x81: {  	[hbm4b:s25+s2] =	stream.linear.scatter [tilespmem:s11], [sflag:$0x3], $0x1000, $0x38;
	[tilespmem:$0xF000] =	vst v63  }
0x82: {  	_ =	swait.ge [sflag:s7], $0x1000  }
0x83: {  	[sflag:s7] =	ssyncset.done $0x0  }
0x84: {  	s25 =	sadd.s32 $0xA00, s24;
	[sflag:s7] =	ssyncadd.s32 $0xFFFFF000  }
0x85: {  	[hbm4b:s25+s2] =	stream.linear.scatter [tilespmem:s17], [sflag:$0x3], $0x1000, $0x38;
	[tilespmem:$0xF000] =	vst v63  }
0x86: {  	_ =	swait.ge [sflag:s7], $0x1000  }
0x87: {  	[sflag:s7] =	ssyncset.done $0x0  }
0x88: {  	s25 =	sadd.s32 $0xC00, s24;
	[sflag:s7] =	ssyncadd.s32 $0xFFFFF000  }
0x89: {  	[hbm4b:s25+s2] =	stream.linear.scatter [tilespmem:s18], [sflag:$0x3], $0x1000, $0x38;
	[tilespmem:$0xF000] =	vst v63  }
0x8a: {  	_ =	swait.ge [sflag:s7], $0x1000  }
.Ltmp1:
0x8b: {  	[sflag:s7] =	ssyncset.done $0x0;
	(pc) =	sbr.rel @p0 .LBB2_4-.Ltmp1, $4  }
0x8c: {  	s24 =	sadd.s32 $0xE00, s24;
	[sflag:s7] =	ssyncadd.s32 $0xFFFFF000  }
0x8d: {  	[hbm4b:s24+s2] =	stream.linear.scatter [tilespmem:s19], [sflag:$0x3], $0x1000, $0x38;
	[tilespmem:$0xF000] =	vst v63  }
0x8e: {  	_ =	swait.ge [sflag:s7], $0x1000  }
0x8f: {  	s21 =	sadd.s32 $0xD0, s21;
	[sflag:s7] =	ssyncset.done $0x0  }
0x90: {  	s23 =	sadd.s32 $0xFFFFFF98, s21;
	[sflag:s7] =	ssyncadd.s32 $0xFFFFF000  }
0x91: {  	[tilespmem:s11], [sflag:$0x2] =	stream.indirect.gather [hbm4b:s3+s8], $0x80, s23, s8, $0xb8;
	[tilespmem:$0xF000] =	vst v63  }
0x92: {  	_ =	swait.ge [sflag:s12], $0x3400  }
0x93: {  	[sflag:s12] =	ssyncset.done $0x0  }
0x94: {  	s31 =	sadd.s32 s22, s6;
	[sflag:s12] =	ssyncadd.s32 $0xFFFFCC00  }
0x95: {  	[hbm4b:s31+s2] =	stream.linear.scatter [tilespmem:s10], [sflag:$0x3], $0x1000, $0x38;
	[tilespmem:$0xF000] =	vst v63  }
0x96: {  	_ =	swait.ge [sflag:s7], $0x1000  }
0x97: {  	[sflag:s7] =	ssyncset.done $0x0  }
0x98: {  	s24 =	sadd.s32 $0x200, s31;
	[sflag:s7] =	ssyncadd.s32 $0xFFFFF000  }
0x99: {  	[hbm4b:s24+s2] =	stream.linear.scatter [tilespmem:s13], [sflag:$0x3], $0x1000, $0x38;
	[tilespmem:$0xF000] =	vst v63  }
0x9a: {  	_ =	swait.ge [sflag:s7], $0x1000  }
0x9b: {  	[sflag:s7] =	ssyncset.done $0x0  }
0x9c: {  	s25 =	sadd.s32 $0x400, s31;
	[sflag:s7] =	ssyncadd.s32 $0xFFFFF000  }
0x9d: {  	[hbm4b:s25+s2] =	stream.linear.scatter [tilespmem:s14], [sflag:$0x3], $0x1000, $0x38;
	[tilespmem:$0xF000] =	vst v63  }
0x9e: {  	_ =	swait.ge [sflag:s7], $0x1000  }
0x9f: {  	[sflag:s7] =	ssyncset.done $0x0  }
0xa0: {  	s26 =	sadd.s32 $0x600, s31;
	[sflag:s7] =	ssyncadd.s32 $0xFFFFF000  }
0xa1: {  	[hbm4b:s26+s2] =	stream.linear.scatter [tilespmem:s15], [sflag:$0x3], $0x1000, $0x38;
	[tilespmem:$0xF000] =	vst v63  }
0xa2: {  	_ =	swait.ge [sflag:s7], $0x1000  }
0xa3: {  	p0 =	seq.s32 s22, $0x3F000;
	[sflag:s7] =	ssyncset.done $0x0  }
0xa4: {  	s22 =	simm.s32 @!p0 $0x68;
	s24 =	simm.s32 @!p0 $0x6800;
	[sflag:s7] =	ssyncadd.s32 $0xFFFFF000  }
0xa5: {  	[tilespmem:s24], [sflag:$0x1] =	stream.indirect.gather @!p0 [hbm4b:s3+s22], $0x80, s21, s22, $0xb8;
	[tilespmem:$0xF000] =	vst v63  }
0xa6: {  	_ =	swait.ge [sflag:s16], $0x3400  }
0xa7: {  	[sflag:s16] =	ssyncset.done $0x0  }
0xa8: {  	s28 =	sadd.s32 $0x800, s31;
	[sflag:s16] =	ssyncadd.s32 $0xFFFFCC00  }
0xa9: {  	[hbm4b:s28+s2] =	stream.linear.scatter [tilespmem:s11], [sflag:$0x3], $0x1000, $0x38;
	[tilespmem:$0xF000] =	vst v63  }
0xaa: {  	_ =	swait.ge [sflag:s7], $0x1000  }
0xab: {  	[sflag:s7] =	ssyncset.done $0x0  }
0xac: {  	s29 =	sadd.s32 $0xA00, s31;
	[sflag:s7] =	ssyncadd.s32 $0xFFFFF000  }
0xad: {  	[hbm4b:s29+s2] =	stream.linear.scatter [tilespmem:s17], [sflag:$0x3], $0x1000, $0x38;
	[tilespmem:$0xF000] =	vst v63  }
0xae: {  	_ =	swait.ge [sflag:s7], $0x1000  }
0xaf: {  	[sflag:s7] =	ssyncset.done $0x0  }
0xb0: {  	s30 =	sadd.s32 $0xC00, s31;
	[sflag:s7] =	ssyncadd.s32 $0xFFFFF000  }
0xb1: {  	[hbm4b:s30+s2] =	stream.linear.scatter [tilespmem:s18], [sflag:$0x3], $0x1000, $0x38;
	[tilespmem:$0xF000] =	vst v63  }
0xb2: {  	s20 =	sadd.s32 $0x1, s20;
	_ =	swait.ge [sflag:s7], $0x1000  }
0xb3: {  	p0 =	sne.s32 s20, s5;
	[sflag:s7] =	ssyncset.done $0x0  }
.Ltmp2:
0xb4: {  	s31 =	sadd.s32 $0xE00, s31;
	[sflag:s7] =	ssyncadd.s32 $0xFFFFF000;
	(pc) =	sbr.rel @p0 .LBB2_1-.Ltmp2, $4  }
0xb5: {  	[hbm4b:s31+s2] =	stream.linear.scatter [tilespmem:s19], [sflag:$0x3], $0x1000, $0x38;
	[tilespmem:$0xF000] =	vst v63  }
0xb6: {  	_ =	swait.ge [sflag:s7], $0x1000  }
0xb7: {  	[sflag:s7] =	ssyncset.done $0x0  }
0xb8: {  	[sflag:s7] =	ssyncadd.s32 $0xFFFFF000  }
0xb9: {  	_ =	sfence.sel $0x180000  }
0xba: {  	[bflag:$0x0] =	sbarrier.arrive $0xFFFF  }
0xbb: {  	p0 =	sne.s32 s1, $0x0;
	_ =	strace $0x90000047  }
0xbc: {  	s0 =	sadd.s32 @!p0 $0x100000, s0;
	[bflag:$0x2] =	sbarrier.arrive $0xFFFF  }
0xbd: {  	[sflag:s0] =	ssyncadd.tile.s32 @!p0 $0x1;
	_ =	shalt  }
.Lfunc_end2:
_tile_overlayer_lowered:
.L_overlay_start_2:
0xbe: {  	(tag) =	ssettag $0x2  }
0xbf: {  	s0 =	rddreg [dreg:$0x0];
	s2 =	stileid.u32  }
0xc0: {  	s1 =	rddreg [dreg:$0x1];
	p0 =	sne.s32 s2, $0x0  }
0xc1: {  	s3 =	rddreg [dreg:$0x2];
	[bflag:$0x3] =	sbarrier.arrive $0xFFFF;
	s2 =	simm.s32 @!p0 $0x1C03  }
0xc2: {  	[timem:s3], [sflag:s2] =	dma.local @!p0 [hbm:s0], s1  }
0xc3: {  	s0 =	simm.s32 @!p0 $0x3  }
0xc4: {  	_ =	swait.ge @!p0 [sflag:s0], s1  }
0xc5: {  	s1 =	ssub.s32 @!p0 $0x0, s1;
	[sflag:s0] =	ssyncset.done @!p0 $0x0  }
0xc6: {  	[sflag:s0] =	ssyncadd.s32 @!p0 s1  }
0xc7: {  	[bflag:$0x3] =	sbarrier.arrive $0xFFFF  }
0xc8: {  	_ =	shalt  }

// kernel: sparse-core-data-format-call.cloned.1.call-start
scs
called_computation_lowered:
.L_overlay_start_0:
0x0: {  	s2 =	sld [smem:$0x3FD9]  }
0x1: {  	s3 =	sld [smem:$0x3FFE];
	_ =	sdelay $0x1  }
0x2: {  	s1 =	srdreg.scid  }
0x3: {  	s0 =	sand.u32 $0x1, s1  }
0x4: {  	s18 =	sshll.u32 s0, $0xA;
	s2 =	sadd.s32 s3, s2  }
0x5: {  	s2 =	sadd.s32 s2, s18  }
0x6: {  	[smem:$0x3FC3] =	sst s2  }
0x7: {  	_ = 	snop  }
0x8: {  	s2 =	sld [smem:$0x3FD0];
	(tm) =	ssettm $0x1  }
0x9: {  	s19 =	sld [smem:$0x3FFB];
	_ =	sdelay $0x3  }
0xa: {  	_ =	strace s19  }
0xb: {  	s3 =	sld [smem:$0x3FFC];
	_ =	sdelay $0x3  }
0xc: {  	_ =	strace s3  }
0xd: {  	s3 =	sld [smem:$0x3FFD];
	_ =	sdelay $0x3  }
0xe: {  	_ =	strace s3  }
0xf: {  	_ =	strace $0x8FFFFFFF  }
0x10: {  	s20 =	sld [smem:$0x3FDB];
	_ =	sdelay $0x1  }
0x11: {  	s4 =	simm.s32 $_scs_section_size  }
0x12: {  	s5 =	simm.s32 $_size__tile_overlayer_lowered;
	s6 =	simm.s32 $_tile_overlayer_lowered  }
0x13: {  	s23 =	simm.s32 $0x1BFF;
	s22 =	sshll.u32 s6, $0x1;
	s3 =	sadd.s32 s4, s20  }
0x14: {  	s7 =	simm.s32 $0x0;
	s21 =	sshll.u32 s5, $0x1;
	s5 =	sadd.s32 s22, s3  }
0x15: {  	[timem:s7], [sflag:s23] =	dma.local [hbm:s5], s21  }
0x16: {  	_ =	swait.ge [sflag:s23], s21  }
0x17: {  	s4 =	ssub.s32 $0x0, s21;
	[sflag:s23] =	ssyncset.done $0x0  }
0x18: {  	[sflag:s23] =	ssyncadd.s32 s4;
	_ =	sdelay $0x1  }
0x19: {  	s24 =	simm.s32 $0x1B8B  }
0x1a: {  	_ =	swait.ge [sflag:s24], $0x1  }
0x1b: {  	[sflag:s24] =	ssyncset.done $0x0  }
0x1c: {  	s26 =	simm.s32 $0x1B8E;
	s25 =	sld [smem:$0x3FFE];
	[sflag:s24] =	ssyncadd.s32 $0xFFFFFFFF  }
0x1d: {  	s27 =	simm.s32 $execute0_lowered;
	[smem:$0x3FD2] =	sst s26  }
0x1e: {  	s5 =	sshll.u32 s27, $0x1;
	_ =	strace $0x80000049;
	[dreg:$0x1] =	wrdreg $0xFFFFFFFF  }
0x1f: {  	s28 =	simm.s32 $_size_execute0_lowered;
	s3 =	sadd.s32 s3, s5;
	[dreg:$0x0] =	wrdreg $0x0  }
0x20: {  	s5 =	sshll.u32 s28, $0x1;
	[dreg:$0x2] =	wrdreg s3  }
0x21: {  	[dreg:$0x3] =	wrdreg s5  }
0x22: {  	[dreg:$0x4] =	wrdreg $0xC0  }
0x23: {  	_ =	task [dreg:s7], $0x5FFFF  }
0x24: {  	[dreg:$0x1] =	wrdreg $0xFFFFFFFF  }
0x25: {  	[dreg:$0x0] =	wrdreg $0x60  }
0x26: {  	[dreg:$0x2] =	wrdreg s25  }
0x27: {  	[dreg:$0x3] =	wrdreg s2  }
0x28: {  	[dreg:$0x4] =	wrdreg $0x9  }
0x29: {  	_ =	task.clear_ibuf [dreg:s7], $0x5FFFF;
	_ =	strace $0x90000049  }
0x2a: {  	s29 =	simm.s32 $0x9;
	_ =	strace $0x8000004B  }
0x2b: {  	_ =	swait.ge [sflag:s29], $0x1  }
0x2c: {  	[sflag:s29] =	ssyncadd.s32 $0xFFFFFFFF  }
0x2d: {  	_ =	strace $0x9000004B  }
0x2e: {  	_ =	sfence  }
0x2f: {  	s30 =	sld [smem:$0x0];
	_ =	sdelay $0x2  }
0x30: {  	s31 =	sshll.u32 s1, $0xD;
	s1 =	sshrl.u32 s1, $0x2  }
0x31: {  	s3 =	sand.u32 $0x4000, s31;
	s1 =	sadd.s32 s1, s30  }
0x32: {  	s0 =	sor.u32 s3, s0;
	s1 =	sshll.u32 s1, $0x11  }
0x33: {  	s0 =	sor.u32 s1, s0  }
0x34: {  	s0 =	sadd.s32 $0x8F2B, s0  }
0x35: {  	[sflag:s0] =	ssyncadd.remote.s32 $0x1  }
0x36: {  	_ =	sfence.sel $0xFFFF  }
0x37: {  	[dreg:$0x0] =	wrdreg $0xFFFFFFFF;
	(pc) =	sbr.abs _section_cstart, $3  }
0x38: {  	[dreg:$0x1] =	wrdreg $0xFFFFFFFF  }
0x39: {  	_ =	task.clear_ibuf [dreg:s7], $0x2FFFF;
	_ =	strace $0x9FFFFFFF  }
0x3a: {  	(tm) =	ssettm $0x7FFFFFFF  }
0x3b: {  	_ =	shalt  }
tec
execute0_lowered:
.L_overlay_start_1:
0x0: {  	(tag) =	ssettag $0x1  }
0x1: {  	s0 =	srdreg.scid  }
0x2: {  	s1 =	sshll.u32 s0, $0x4  }
0x3: {  	s0 =	stileid.u32;
	s1 =	sand.u32 $0x10, s1  }
0x4: {  	s1 =	sor.u32 s0, s1  }
0x5: {  	s6 =	rddreg [dreg:$0x0];
	s4 =	simm.s32 $0x1;
	s2 =	sshll.u32 s1, $0x7  }
0x6: {  	s7 =	simm.s32 $0x2;
	s12 =	simm.s32 $0x0;
	s1 =	ssub.s32 $0x4000, s2  }
0x7: {  	s8 =	simm.s32 $0x20000;
	s13 =	simm.s32 $0x0;
	s3 =	sand.u32 $0xF80, s1  }
0x8: {  	s9 =	simm.s32 $0x0;
	s5 =	sshrl.u32 s1, $0xC;
	p0 =	sne.s32 s3, $0x0  }
.Ltmp0:
0x9: {  	s1 =	rddreg [dreg:$0x2];
	s4 =	simm.s32 @!p0 $0x0;
	(pc) =	sbr.rel .LBB1_1-.Ltmp0, $4  }
0xa: {  	s11 =	simm.s32 $0x0;
	s3 =	rddreg [dreg:$0x1];
	s5 =	sadd.s32 s4, s5  }
0xb: {  	_ =	strace $0x8000004A;
	s4 =	simm.s32 $0x1;
	s5 =	smul.u32 $0x1A, s5  }
0xc: {  	s6 =	sadd.s32 $0xBD1A00, s6;
	s10 =	smov.u32 s2;
	[sflag:s4] =	ssyncpa.u1 $0x0  }
0xd: {  	p0 =	por $0x0, $0x0;
	[sflag:s7] =	ssyncpa.u1 $0x0;
	s7 =	sor.u32 $0x1, s5  }
.LBB1_4:
0xe: {  	s16 =	sshll.u32 s13, $0x3;
	s17 =	sand.u32 $0x78, s13  }
0xf: {  	s30 =	sand.u32 $0x1F800, s13;
	s12 =	sshll.u32 s12, $0x11;
	s16 =	sand.u32 $0x3C00, s16  }
0x10: {  	[tilespmem:s15+$0x810 ss:$0x81] =	vst.msk $0xffff, v2;
	s31 =	sand.u32 $0x7, s13;
	s16 =	sor.u32 s17, s16;
	s17 =	sadd.s32 s3, s30  }
0x11: {  	[tilespmem:s15+$0x1020 ss:$0x81] =	vst.msk $0xffff, v0;
	s13 =	sshll.u32 s31, $0x12;
	s12 =	sadd.s32 s12, s17;
	s16 =	sshrl.u32 s16, $0x3  }
0x12: {  	[tilespmem:s15+$0x0 ss:$0x81] =	vst.msk $0xffff, v1;
	s13 =	sor.u32 $0x400, s13;
	s12 =	sadd.s32 s16, s12  }
0x13: {  	[hbm4b:s12+s13] =	stream.strided.scatter [tilespmem:s14], [sflag:$0x2], $0x2000, s8, s13, $0x20;
	[tilespmem:$0x8080] =	vst v63  }
.LBB1_5:
0x14: {  	s14 =	sadd.s32 $0x1, s9  }
0x15: {  	s12 =	sadd.s32 $0x1000, s10;
	s16 =	smov.u32 s10;
	p2 =	sgt.s32 s14, $0x19  }
0x16: {  	s16 =	smov.u32 @p2 s12  }
0x17: {  	s14 =	simm.s32 @p2 $0x0;
	p2 =	sgt.s32 s16, $0x3FFF  }
0x18: {  	s16 =	smov.u32 @p2 s2;
	p2 =	sne.s32 s11, s7  }
.Ltmp1:
0x19: {  	p1 =	slt.u32 s11, $0x2;
	(pc) =	sbr.rel @!p2 .LBB1_6-.Ltmp1, $4  }
0x1a: {  	s15 =	simm.s32 @!p1 $0x2  }
0x1b: {  	s13 =	smov.u32 s10;
	p0 =	por !p0, !p0;
	_ =	swait.ge @!p1 [sflag:s15], $0x2000  }
0x1c: {  	s12 =	smov.u32 s9;
	[sflag:s15] =	ssyncset.done @!p1 $0x0;
	s9 =	smov.u32 s14  }
0x1d: {  	s11 =	sadd.s32 $0x1, s11;
	[sflag:s15] =	ssyncadd.s32 @!p1 $0xFFFFE000;
	s10 =	smov.u32 s16  }
.LBB1_1:
0x1e: {  	p1 =	sge.u32 s11, s5  }
0x1f: {  	s31 =	sadd.s32 $0xFFFFFFFF, s11;
	s14 =	sxor.u32 @!p1 $0xFFFFFFFF, s11  }
0x20: {  	s15 =	sshll.u32 @!p1 s10, $0x9;
	s16 =	sshll.u32 @!p1 s9, $0x4;
	s17 =	simm.s32 @!p1 $0x1000  }
0x21: {  	s14 =	sshll.u32 @!p1 s14, $0xD;
	s16 =	sand.u32 @!p1 $0x1F0, s16;
	s15 =	sadd.s32 @!p1 s6, s15  }
0x22: {  	s14 =	sand.u32 @!p1 $0x2000, s14;
	s15 =	sadd.s32 @!p1 s16, s15;
	s16 =	simm.s32 @!p1 $0x40  }
0x23: {  	[tilespmem:s14], [sflag:$0x1] =	stream.strided.gather @!p1 [hbm4b:s15+s16], $0x2000, s17, s16, $0x38;
	[tilespmem:$0x8080] =	vst v63  }
0x24: {  	p1 =	sge.u32 s31, s5  }
.Ltmp2:
0x25: {  	_ = 	snop;
	(pc) =	sbr.rel @p1 .LBB1_5-.Ltmp2, $1  }
0x26: {  	_ =	sdelay $0x3  }
0x27: {  	s14 =	simm.s32 $0x1  }
0x28: {  	_ =	swait.ge [sflag:s4], $0x2000;
	s14 =	simm.s32 @!p0 $0x0  }
0x29: {  	[sflag:s4] =	ssyncset.done $0x0;
	s15 =	sshll.u32 s14, $0xD  }
0x2a: {  	[sflag:s4] =	ssyncadd.s32 $0xFFFFE000;
	s18 =	sor.u32 $0x20, s15  }
0x2b: {  	s14 =	smul.u32 $0x8100, s14;
	v3 =	vld [tilespmem:s18+$0x10]  }
0x2c: {  	s30 =	sand.u32 $0x1, s11;
	v2 =	vld [tilespmem:s18+$0xFFFFFFF0]  }
0x2d: {  	s15 =	smul.u32 $0x8100, s30;
	s14 =	sshrl.u32 s14, $0x2;
	v0 =	vld [tilespmem:s18+$0x0]  }
0x2e: {  	v1 =	vld [tilespmem:s18+$0xFFFFFFE0];
	s16 =	sor.u32 $0x4000, s14  }
0x2f: {  	s31 =	sshrl.u32 s15, $0x2;
	s15 =	sadd.s32 $0x0, s16  }
0x30: {  	s17 =	simm.s32 $0x4;
	s18 =	sadd.s32 $0x40, s18;
	s14 =	sor.u32 $0x4000, s31;
	[tilespmem:s15+$0x1830 ss:$0x81] =	vst.msk $0xffff, v3  }
.LBB1_3:
0x31: {  	v3 =	vld [tilespmem:s18+$0x10];
	p1 =	sne.s32 s17, $0x1FC;
	[tilespmem:s15+$0x810 ss:$0x81] =	vst.msk $0xffff, v2;
	s19 =	smov.u32 s17;
	s17 =	sadd.s32 $0x4, s17  }
.Ltmp3:
0x32: {  	v2 =	vld [tilespmem:s18+$0xFFFFFFF0];
	[tilespmem:s15+$0x1020 ss:$0x81] =	vst.msk $0xffff, v0;
	(pc) =	sbr.rel @p1 .LBB1_3-.Ltmp3, $4  }
0x33: {  	v0 =	vld [tilespmem:s18+$0x0];
	[tilespmem:s15+$0x0 ss:$0x81] =	vst.msk $0xffff, v1  }
0x34: {  	s15 =	sshra.s32 s19, $0x2;
	v1 =	vld [tilespmem:s18+$0xFFFFFFE0]  }
0x35: {  	s15 =	sadd.s32 s15, s16  }
0x36: {  	s18 =	sadd.s32 $0x40, s18;
	[tilespmem:s15+$0x1830 ss:$0x81] =	vst.msk $0xffff, v3  }
.Ltmp4:
0x37: {  	_ = 	snop;
	(pc) =	sbr.rel .LBB1_4-.Ltmp4, $1  }
0x38: {  	_ =	sdelay $0x3  }
.LBB1_6:
0x39: {  	_ =	sfence.sel $0x180000  }
0x3a: {  	s2 =	simm.s32 $0x1;
	[bflag:$0x0] =	sbarrier.arrive $0xFFFF  }
0x3b: {  	s31 =	simm.s32 $0x2;
	[sflag:s2] =	ssyncpa.u1 $0x1  }
0x3c: {  	[sflag:s31] =	ssyncpa.u1 $0x1  }
0x3d: {  	p0 =	sne.s32 s0, $0x0;
	_ =	strace $0x9000004A  }
0x3e: {  	s0 =	sadd.s32 @!p0 $0x100000, s1;
	[bflag:$0x2] =	sbarrier.arrive $0xFFFF  }
0x3f: {  	[sflag:s0] =	ssyncadd.tile.s32 @!p0 $0x1;
	_ =	shalt  }
.Lfunc_end1:
_tile_overlayer_lowered:
.L_overlay_start_2:
0x40: {  	(tag) =	ssettag $0x2  }
0x41: {  	s0 =	rddreg [dreg:$0x0];
	s2 =	stileid.u32  }
0x42: {  	s1 =	rddreg [dreg:$0x1];
	p0 =	sne.s32 s2, $0x0  }
0x43: {  	s3 =	rddreg [dreg:$0x2];
	[bflag:$0x3] =	sbarrier.arrive $0xFFFF;
	s2 =	simm.s32 @!p0 $0x1C01  }
0x44: {  	[timem:s3], [sflag:s2] =	dma.local @!p0 [hbm:s0], s1  }
0x45: {  	s0 =	simm.s32 @!p0 $0x1  }
0x46: {  	_ =	swait.ge @!p0 [sflag:s0], s1  }
0x47: {  	s1 =	ssub.s32 @!p0 $0x0, s1;
	[sflag:s0] =	ssyncset.done @!p0 $0x0  }
0x48: {  	[sflag:s0] =	ssyncadd.s32 @!p0 s1  }
0x49: {  	[bflag:$0x3] =	sbarrier.arrive $0xFFFF  }
0x4a: {  	_ =	shalt  }

</sc_bundles>
